<compile_context>
chip_gen: v7x
topology: tpu7x:2x2x1
jax: 0.10.2.dev20260603
libtpu: 0.0.44.dev20260713+nightly
codegen_flags: <defaults>
</compile_context>

<pallas_src>
import jax
import jax.numpy as jnp
from jax import lax
from jax.experimental import pallas as pl
from jax.experimental.pallas import tpu as pltpu
from jax.experimental.pallas import tpu_sc as plsc

_NUM_WORKERS = 32
_LANES = 16
_CHUNK = 4096


def _sc_gather_t(tables_t, cat_t, batch, row_lo, n_rows):
    nf, d, v = tables_t.shape
    rpw = n_rows // _NUM_WORKERS
    n_chunks = batch // _CHUNK
    assert n_chunks % 2 == 0
    mesh = plsc.VectorSubcoreMesh(core_axis_name="core", subcore_axis_name="subcore")

    @pl.kernel(
        out_type=jax.ShapeDtypeStruct((n_rows, batch), jnp.float32),
        mesh=mesh,
        compiler_params=pltpu.CompilerParams(needs_layout_passes=False),
        scratch_types=[
            pltpu.VMEM((1, v), jnp.float32),
            pltpu.VMEM((1, batch), jnp.int32),
            pltpu.VMEM((2, _CHUNK), jnp.float32),
            pltpu.SemaphoreType.DMA,
            pltpu.SemaphoreType.DMA,
            pltpu.SemaphoreType.DMA,
        ],
    )
    def gather_kernel(tab_hbm, cat_hbm, out_hbm, row_v, idx_v, val_v, rsem, s0, s1):
        wid = lax.axis_index("core") * 16 + lax.axis_index("subcore")
        zeros = jnp.zeros((_LANES,), jnp.int32)
        ssems = (s0, s1)

        @pl.loop(0, rpw)
        def _row(k):
            lr = wid * rpw + k
            r = row_lo + lr
            f = r // d
            j = r - f * d
            row_cp = pltpu.async_copy(tab_hbm.at[f, j], row_v.at[0], rsem)

            @pl.when(k > 0)
            def _():
                for s in ssems:
                    pltpu.make_async_copy(
                        val_v.at[0], out_hbm.at[0, pl.ds(0, _CHUNK)], s
                    ).wait()

            @pl.when((k == 0) | (f != (r - 1) // d))
            def _():
                pltpu.sync_copy(cat_hbm.at[f], idx_v.at[0])

            row_cp.wait()

            for c in range(n_chunks):
                slot = c % 2
                base = c * _CHUNK
                if c >= 2:
                    pltpu.make_async_copy(
                        val_v.at[0], out_hbm.at[0, pl.ds(0, _CHUNK)], ssems[slot]
                    ).wait()

                @plsc.parallel_loop(0, _CHUNK, 16, unroll=16)
                def _blk(i):
                    idx = idx_v[0, pl.ds(base + i, _LANES)]
                    vals = plsc.load_gather(row_v, [zeros, idx])
                    val_v[slot, pl.ds(i, _LANES)] = vals

                pltpu.async_copy(
                    val_v.at[slot], out_hbm.at[lr, pl.ds(base, _CHUNK)], ssems[slot]
                )

        for s in ssems:
            pltpu.make_async_copy(
                val_v.at[0], out_hbm.at[0, pl.ds(0, _CHUNK)], s
            ).wait()

    return gather_kernel(tables_t, cat_t)


_BLK = 4096


def _tc_partial(w_t, emb_t, num_t, w1n_t):
    hidden, rows = w_t.shape
    batch = emb_t.shape[1]
    ndim = num_t.shape[0]

    def body(w_ref, e_ref, n_ref, wn_ref, o_ref):
        o_ref[...] = jax.lax.dot_general(
            w_ref[...], e_ref[...], (((1,), (0,)), ((), ())),
            precision=jax.lax.Precision.DEFAULT,
            preferred_element_type=jnp.float32,
        ) + jax.lax.dot_general(
            wn_ref[...], n_ref[...], (((1,), (0,)), ((), ())),
            precision=jax.lax.Precision.DEFAULT,
            preferred_element_type=jnp.float32,
        )

    return pl.pallas_call(
        body,
        grid=(batch // _BLK,),
        in_specs=[
            pl.BlockSpec((hidden, rows), lambda i: (0, 0)),
            pl.BlockSpec((rows, _BLK), lambda i: (0, i)),
            pl.BlockSpec((ndim, _BLK), lambda i: (0, i)),
            pl.BlockSpec((hidden, ndim), lambda i: (0, 0)),
        ],
        out_specs=pl.BlockSpec((hidden, _BLK), lambda i: (0, i)),
        out_shape=jax.ShapeDtypeStruct((hidden, batch), jnp.float32),
    )(w_t, emb_t, num_t, w1n_t)


def _tc_accum(partial, w_t, emb_t):
    hidden, rows = w_t.shape
    batch = emb_t.shape[1]

    def body(p_ref, w_ref, e_ref, o_ref):
        o_ref[...] = p_ref[...] + jax.lax.dot_general(
            w_ref[...], e_ref[...], (((1,), (0,)), ((), ())),
            precision=jax.lax.Precision.DEFAULT,
            preferred_element_type=jnp.float32,
        )

    return pl.pallas_call(
        body,
        grid=(batch // _BLK,),
        in_specs=[
            pl.BlockSpec((hidden, _BLK), lambda i: (0, i)),
            pl.BlockSpec((hidden, rows), lambda i: (0, 0)),
            pl.BlockSpec((rows, _BLK), lambda i: (0, i)),
        ],
        out_specs=pl.BlockSpec((hidden, _BLK), lambda i: (0, i)),
        out_shape=jax.ShapeDtypeStruct((hidden, batch), jnp.float32),
    )(partial, w_t, emb_t)


def _tc_final(partial, emb_t, w_t, b1_col, w2_col, b2):
    hidden, rows = w_t.shape
    batch = emb_t.shape[1]

    def body(p_ref, e_ref, w_ref, b1_ref, w2_ref, b2_ref, out_ref):
        ht = p_ref[...] + jax.lax.dot_general(
            w_ref[...], e_ref[...], (((1,), (0,)), ((), ())),
            precision=jax.lax.Precision.DEFAULT,
            preferred_element_type=jnp.float32,
        )
        ht = jnp.maximum(ht + b1_ref[...], 0.0)
        o = jnp.sum(ht * w2_ref[...], axis=0, keepdims=True) + b2_ref[...]
        out_ref[...] = jax.nn.sigmoid(o)

    return pl.pallas_call(
        body,
        grid=(batch // _BLK,),
        in_specs=[
            pl.BlockSpec((hidden, _BLK), lambda i: (0, i)),
            pl.BlockSpec((rows, _BLK), lambda i: (0, i)),
            pl.BlockSpec((hidden, rows), lambda i: (0, 0)),
            pl.BlockSpec((hidden, 1), lambda i: (0, 0)),
            pl.BlockSpec((hidden, 1), lambda i: (0, 0)),
            pl.BlockSpec((1, 1), lambda i: (0, 0)),
        ],
        out_specs=pl.BlockSpec((1, _BLK), lambda i: (0, i)),
        out_shape=jax.ShapeDtypeStruct((1, batch), jnp.float32),
    )(partial, emb_t, w_t, b1_col, w2_col, b2)


def kernel(categorical_inputs, numerical_inputs, tables, W1, b1, W2, b2):
    batch, nf = categorical_inputs.shape
    d = tables.shape[2]
    hidden = W1.shape[1]

    tables_t = jnp.transpose(tables, (0, 2, 1))
    cat_t = jnp.transpose(categorical_inputs, (1, 0))
    num_t = jnp.transpose(numerical_inputs, (1, 0))

    rows = nf * d
    field_splits = (13, 13) if nf == 26 else (nf,)

    w1e_t = jnp.transpose(W1[:rows], (1, 0))
    w1n_t = jnp.transpose(W1[rows:], (1, 0))

    bounds = []
    lo = 0
    for nfs in field_splits:
        bounds.append((lo * d, nfs * d))
        lo += nfs
    embs = [_sc_gather_t(tables_t, cat_t, batch, lo_r, n_r) for lo_r, n_r in bounds]

    partial = _tc_partial(w1e_t[:, : bounds[0][1]], embs[0], num_t, w1n_t)
    for (lo_r, n_r), emb in zip(bounds[1:-1], embs[1:-1]):
        partial = _tc_accum(partial, w1e_t[:, lo_r : lo_r + n_r], emb)
    lo_r, n_r = bounds[-1]
    out_row = _tc_final(
        partial,
        embs[-1],
        w1e_t[:, lo_r : lo_r + n_r],
        b1.reshape(hidden, 1),
        W2.reshape(hidden, 1),
        b2.reshape(1, 1),
    )
    return out_row.reshape(batch, 1)

# --- scband reference (transcript-rebuilt; emitter-appended) ---
"""Pipeline reference for scband-nngramlanguage-modeler-18021682774717 (READ-ONLY COPY).

The authoritative reference and input builder live on the scoring server;
editing this copy changes nothing except your own understanding.
"""

import jax, jax.numpy as jnp
import numpy as np

NUM_FIELDS = 26
VOCAB = 100000
EMBED_DIM = 32
BATCH = 16384
NUM_NUMERIC = 13
HIDDEN = 128


def setup_inputs(seed: int = 0) -> dict:
    key = jax.random.key(seed)
    k_cat, k_num, k_tab, k_w1, k_b1, k_w2, k_b2 = jax.random.split(key, 7)
    categorical_inputs = jax.random.randint(k_cat, (BATCH, NUM_FIELDS), 0, VOCAB, dtype=jnp.int64 if jax.config.jax_enable_x64 else jnp.int32).astype(jnp.int32)
    numerical_inputs = jax.random.normal(k_num, (BATCH, NUM_NUMERIC), dtype=jnp.float32)
    # 26 embedding tables, same vocab size, stacked: [NUM_FIELDS, VOCAB, EMBED_DIM]
    tables = jax.random.normal(k_tab, (NUM_FIELDS, VOCAB, EMBED_DIM), dtype=jnp.float32) * 0.02
    in_dim = EMBED_DIM * NUM_FIELDS + NUM_NUMERIC
    W1 = jax.random.normal(k_w1, (in_dim, HIDDEN), dtype=jnp.float32) * (1.0 / np.sqrt(in_dim))
    b1 = jax.random.normal(k_b1, (HIDDEN,), dtype=jnp.float32) * 0.01
    W2 = jax.random.normal(k_w2, (HIDDEN, 1), dtype=jnp.float32) * (1.0 / np.sqrt(HIDDEN))
    b2 = jax.random.normal(k_b2, (1,), dtype=jnp.float32) * 0.01
    return {"categorical_inputs": categorical_inputs, "numerical_inputs": numerical_inputs,
            "tables": tables, "W1": W1, "b1": b1, "W2": W2, "b2": b2}


def reference(categorical_inputs, numerical_inputs, tables, W1, b1, W2, b2):
    # per-field embedding lookup (gather), then concat along feature dim
    categorical_embeddings = [jnp.take(tables[i], categorical_inputs[:, i], axis=0)
                              for i in range(NUM_FIELDS)]
    categorical_embeddings = jnp.concatenate(categorical_embeddings, axis=1)
    combined_inputs = jnp.concatenate((categorical_embeddings, numerical_inputs), axis=1)
    x = jax.nn.relu(combined_inputs @ W1 + b1)
    x = jax.nn.sigmoid(x @ W2 + b2)
    return x

if __name__ == "__main__":
    import jax
    _d = setup_inputs()
    print(jax.jit(kernel)(*tuple(_d.values())))

</pallas_src>

<mosaic_0001>
#map = affine_map<(d0, d1) -> (0, 0, 0)>
#map1 = affine_map<(d0, d1) -> (0, 0)>
module attributes {stable_mosaic.version = 14 : i64} {
  func.func @gather_kernel(%arg0: i32, %arg1: i32, %arg2: memref<26x32x100000xf32, #tpu.memory_space<hbm>>, %arg3: memref<26x16384xi32, #tpu.memory_space<hbm>>, %arg4: memref<416x16384xf32, #tpu.memory_space<hbm>>, %arg5: memref<1x100000xf32, #tpu.memory_space<vmem>>, %arg6: memref<1x16384xi32, #tpu.memory_space<vmem>>, %arg7: memref<2x4096xf32, #tpu.memory_space<vmem>>, %arg8: memref<!tpu.dma_semaphore, #tpu.memory_space<semaphore_mem>>, %arg9: memref<!tpu.dma_semaphore, #tpu.memory_space<semaphore_mem>>, %arg10: memref<!tpu.dma_semaphore, #tpu.memory_space<semaphore_mem>>) attributes {dimension_semantics = [#tpu.dimension_semantics<core_parallel>, #tpu.dimension_semantics<subcore_parallel>], iteration_bounds = array<i64: 2, 16>, scalar_prefetch = 0 : i64, scratch_operands = 6 : i64, tpu.core_type = #tpu.core_type<sc_vector_subcore>, window_params = [{transform_indices = #map}, {transform_indices = #map1}, {transform_indices = #map1}]} {
    %mul3A = arith.constant 16 : i32
    %mul3A_0 = arith.muli %arg0, %mul3A : i32
    %add3A = arith.addi %mul3A_0, %arg1 : i32
    %broadcast_in_dim3A = arith.constant 0 : i32
    %broadcast_in_dim3A_1 = vector.broadcast %broadcast_in_dim3A : i32 to vector<16xi32>
    %scan3A = arith.constant 0 : i32
    %scan3A_2 = arith.constant 13 : i32
    %scan3A_3 = arith.addi %scan3A, %scan3A_2 : i32
    %scan3A_4 = arith.constant 1 : i32
    scf.for %scan3A_33 = %scan3A to %scan3A_3 step %scan3A_4  : i32 {
      %mul3A_34 = arith.constant 1 : i32
      %mul3A_35 = arith.muli %scan3A_33, %mul3A_34 : i32
      %add3A_36 = arith.constant 0 : i32
      %add3A_37 = arith.addi %add3A_36, %mul3A_35 : i32
      %mul3A_38 = arith.constant 13 : i32
      %mul3A_39 = arith.muli %add3A, %mul3A_38 : i32
      %add3A_40 = arith.addi %mul3A_39, %add3A_37 : i32
      %add3A_41 = arith.constant 0 : i32
      %add3A_42 = arith.addi %add3A_41, %add3A_40 : i32
      %jit3A = arith.constant 32 : i32
      %div3A = arith.divsi %add3A_42, %jit3A : i32
      %sign3A = arith.constant 0 : i32
      %sign3A_43 = arith.cmpi sgt, %add3A_42, %sign3A : i32
      %sign3A_44 = arith.extui %sign3A_43 : i1 to i32
      %sign3A_45 = arith.constant 0 : i32
      %sign3A_46 = arith.cmpi slt, %add3A_42, %sign3A_45 : i32
      %sign3A_47 = arith.extui %sign3A_46 : i1 to i32
      %sign3A_48 = arith.subi %sign3A_44, %sign3A_47 : i32
      %sign3A_49 = arith.constant 0 : i32
      %sign3A_50 = arith.cmpi sgt, %jit3A, %sign3A_49 : i32
      %sign3A_51 = arith.extui %sign3A_50 : i1 to i32
      %sign3A_52 = arith.constant 0 : i32
      %sign3A_53 = arith.cmpi slt, %jit3A, %sign3A_52 : i32
      %sign3A_54 = arith.extui %sign3A_53 : i1 to i32
      %sign3A_55 = arith.subi %sign3A_51, %sign3A_54 : i32
      %ne3A = arith.cmpi ne, %sign3A_48, %sign3A_55 : i32
      %rem3A = arith.remsi %add3A_42, %jit3A : i32
      %ne3A_56 = arith.constant 0 : i32
      %ne3A_57 = arith.cmpi ne, %rem3A, %ne3A_56 : i32
      %and3A = arith.andi %ne3A, %ne3A_57 : i1
      %sub3A = arith.constant 1 : i32
      %sub3A_58 = arith.subi %div3A, %sub3A : i32
      %select_n3A = arith.select %and3A, %sub3A_58, %div3A : i32
      %mul3A_59 = arith.constant 32 : i32
      %mul3A_60 = arith.muli %select_n3A, %mul3A_59 : i32
      %sub3A_61 = arith.subi %add3A_42, %mul3A_60 : i32
      %dma_start3A = arith.constant 0 : i32
      %dma_start3A_62 = arith.constant 0 : i32
      %dma_start3A_63 = tpu.memref_slice %arg5[%dma_start3A, %dma_start3A_62] : memref<1x100000xf32, #tpu.memory_space<vmem>> -> memref<1x100000xf32, #tpu.memory_space<vmem>>
      %dma_start3A_64 = tpu.memref_squeeze %dma_start3A_63 : memref<1x100000xf32, #tpu.memory_space<vmem>> -> memref<100000xf32, #tpu.memory_space<vmem>>
      %dma_start3A_65 = arith.constant 0 : i32
      %dma_start3A_66 = tpu.memref_slice %arg2[%select_n3A, %sub3A_61, %dma_start3A_65] : memref<26x32x100000xf32, #tpu.memory_space<hbm>> -> memref<1x1x100000xf32, #tpu.memory_space<hbm>>
      %dma_start3A_67 = tpu.memref_squeeze %dma_start3A_66 : memref<1x1x100000xf32, #tpu.memory_space<hbm>> -> memref<100000xf32, #tpu.memory_space<hbm>>
      %dma_start3A_68 = arith.constant 0 : i32
      %dma_start3A_69 = tpu.memref_slice %arg5[%dma_start3A, %dma_start3A_68] : memref<1x100000xf32, #tpu.memory_space<vmem>> -> memref<1x100000xf32, #tpu.memory_space<vmem>>
      %dma_start3A_70 = tpu.memref_squeeze %dma_start3A_69 : memref<1x100000xf32, #tpu.memory_space<vmem>> -> memref<100000xf32, #tpu.memory_space<vmem>>
      %dma_start3A_71 = arith.constant 0 : i32
      %dma_start3A_72 = tpu.memref_slice %arg2[%select_n3A, %sub3A_61, %dma_start3A_71] : memref<26x32x100000xf32, #tpu.memory_space<hbm>> -> memref<1x1x100000xf32, #tpu.memory_space<hbm>>
      %dma_start3A_73 = tpu.memref_squeeze %dma_start3A_72 : memref<1x1x100000xf32, #tpu.memory_space<hbm>> -> memref<100000xf32, #tpu.memory_space<hbm>>
      tpu.enqueue_dma source(%dma_start3A_73 : memref<100000xf32, #tpu.memory_space<hbm>>) target(%dma_start3A_70 : memref<100000xf32, #tpu.memory_space<vmem>>) target_semaphore(%arg8 : memref<!tpu.dma_semaphore, #tpu.memory_space<semaphore_mem>>)
      %gt3A = arith.constant 0 : i32
      %gt3A_74 = arith.cmpi sgt, %add3A_37, %gt3A : i32
      %convert_element_type3A = arith.extui %gt3A_74 : i1 to i32
      %cond3A = arith.constant 0 : i32
      %cond3A_75 = arith.cmpi ne, %convert_element_type3A, %cond3A : i32
      scf.if %cond3A_75 {
        %dma_wait3A_211 = arith.constant 0 : i32
        %dma_wait3A_212 = arith.constant 0 : i32
        %dma_wait3A_213 = arith.constant 0 : i32
        %dma_wait3A_214 = tpu.memref_slice %arg7[%dma_wait3A_211, %dma_wait3A_213] : memref<2x4096xf32, #tpu.memory_space<vmem>> -> memref<1x4096xf32, #tpu.memory_space<vmem>>
        %dma_wait3A_215 = tpu.memref_squeeze %dma_wait3A_214 : memref<1x4096xf32, #tpu.memory_space<vmem>> -> memref<4096xf32, #tpu.memory_space<vmem>>
        %dma_wait3A_216 = arith.constant 0 : i32
        %dma_wait3A_217 = tpu.memref_slice %arg4[%dma_wait3A_212, %dma_wait3A_216] : memref<416x16384xf32, #tpu.memory_space<hbm>> -> memref<1x4096xf32, #tpu.memory_space<hbm>>
        %dma_wait3A_218 = tpu.memref_squeeze %dma_wait3A_217 : memref<1x4096xf32, #tpu.memory_space<hbm>> -> memref<4096xf32, #tpu.memory_space<hbm>>
        %dma_wait3A_219 = arith.constant 0 : i32
        %dma_wait3A_220 = tpu.memref_slice %arg4[%dma_wait3A_212, %dma_wait3A_219] : memref<416x16384xf32, #tpu.memory_space<hbm>> -> memref<1x4096xf32, #tpu.memory_space<hbm>>
        %dma_wait3A_221 = tpu.memref_squeeze %dma_wait3A_220 : memref<1x4096xf32, #tpu.memory_space<hbm>> -> memref<4096xf32, #tpu.memory_space<hbm>>
        %dma_wait3A_222 = arith.constant 0 : i32
        %dma_wait3A_223 = tpu.memref_slice %arg7[%dma_wait3A_211, %dma_wait3A_222] : memref<2x4096xf32, #tpu.memory_space<vmem>> -> memref<1x4096xf32, #tpu.memory_space<vmem>>
        %dma_wait3A_224 = tpu.memref_squeeze %dma_wait3A_223 : memref<1x4096xf32, #tpu.memory_space<vmem>> -> memref<4096xf32, #tpu.memory_space<vmem>>
        tpu.wait_dma2 semaphore(%arg9 : memref<!tpu.dma_semaphore, #tpu.memory_space<semaphore_mem>>) src(%dma_wait3A_224 : memref<4096xf32, #tpu.memory_space<vmem>>) dst(%dma_wait3A_221 : memref<4096xf32, #tpu.memory_space<hbm>>)
        %dma_wait3A_225 = arith.constant 0 : i32
        %dma_wait3A_226 = arith.constant 0 : i32
        %dma_wait3A_227 = arith.constant 0 : i32
        %dma_wait3A_228 = tpu.memref_slice %arg7[%dma_wait3A_225, %dma_wait3A_227] : memref<2x4096xf32, #tpu.memory_space<vmem>> -> memref<1x4096xf32, #tpu.memory_space<vmem>>
        %dma_wait3A_229 = tpu.memref_squeeze %dma_wait3A_228 : memref<1x4096xf32, #tpu.memory_space<vmem>> -> memref<4096xf32, #tpu.memory_space<vmem>>
        %dma_wait3A_230 = arith.constant 0 : i32
        %dma_wait3A_231 = tpu.memref_slice %arg4[%dma_wait3A_226, %dma_wait3A_230] : memref<416x16384xf32, #tpu.memory_space<hbm>> -> memref<1x4096xf32, #tpu.memory_space<hbm>>
        %dma_wait3A_232 = tpu.memref_squeeze %dma_wait3A_231 : memref<1x4096xf32, #tpu.memory_space<hbm>> -> memref<4096xf32, #tpu.memory_space<hbm>>
        %dma_wait3A_233 = arith.constant 0 : i32
        %dma_wait3A_234 = tpu.memref_slice %arg4[%dma_wait3A_226, %dma_wait3A_233] : memref<416x16384xf32, #tpu.memory_space<hbm>> -> memref<1x4096xf32, #tpu.memory_space<hbm>>
        %dma_wait3A_235 = tpu.memref_squeeze %dma_wait3A_234 : memref<1x4096xf32, #tpu.memory_space<hbm>> -> memref<4096xf32, #tpu.memory_space<hbm>>
        %dma_wait3A_236 = arith.constant 0 : i32
        %dma_wait3A_237 = tpu.memref_slice %arg7[%dma_wait3A_225, %dma_wait3A_236] : memref<2x4096xf32, #tpu.memory_space<vmem>> -> memref<1x4096xf32, #tpu.memory_space<vmem>>
        %dma_wait3A_238 = tpu.memref_squeeze %dma_wait3A_237 : memref<1x4096xf32, #tpu.memory_space<vmem>> -> memref<4096xf32, #tpu.memory_space<vmem>>
        tpu.wait_dma2 semaphore(%arg10 : memref<!tpu.dma_semaphore, #tpu.memory_space<semaphore_mem>>) src(%dma_wait3A_238 : memref<4096xf32, #tpu.memory_space<vmem>>) dst(%dma_wait3A_235 : memref<4096xf32, #tpu.memory_space<hbm>>)
      } else {
      }
      %eq3A = arith.constant 0 : i32
      %eq3A_76 = arith.cmpi eq, %add3A_37, %eq3A : i32
      %sub3A_77 = arith.constant 1 : i32
      %sub3A_78 = arith.subi %add3A_42, %sub3A_77 : i32
      %jit3A_79 = arith.constant 32 : i32
      %div3A_80 = arith.divsi %sub3A_78, %jit3A_79 : i32
      %sign3A_81 = arith.constant 0 : i32
      %sign3A_82 = arith.cmpi sgt, %sub3A_78, %sign3A_81 : i32
      %sign3A_83 = arith.extui %sign3A_82 : i1 to i32
      %sign3A_84 = arith.constant 0 : i32
      %sign3A_85 = arith.cmpi slt, %sub3A_78, %sign3A_84 : i32
      %sign3A_86 = arith.extui %sign3A_85 : i1 to i32
      %sign3A_87 = arith.subi %sign3A_83, %sign3A_86 : i32
      %sign3A_88 = arith.constant 0 : i32
      %sign3A_89 = arith.cmpi sgt, %jit3A_79, %sign3A_88 : i32
      %sign3A_90 = arith.extui %sign3A_89 : i1 to i32
      %sign3A_91 = arith.constant 0 : i32
      %sign3A_92 = arith.cmpi slt, %jit3A_79, %sign3A_91 : i32
      %sign3A_93 = arith.extui %sign3A_92 : i1 to i32
      %sign3A_94 = arith.subi %sign3A_90, %sign3A_93 : i32
      %ne3A_95 = arith.cmpi ne, %sign3A_87, %sign3A_94 : i32
      %rem3A_96 = arith.remsi %sub3A_78, %jit3A_79 : i32
      %ne3A_97 = arith.constant 0 : i32
      %ne3A_98 = arith.cmpi ne, %rem3A_96, %ne3A_97 : i32
      %and3A_99 = arith.andi %ne3A_95, %ne3A_98 : i1
      %sub3A_100 = arith.constant 1 : i32
      %sub3A_101 = arith.subi %div3A_80, %sub3A_100 : i32
      %select_n3A_102 = arith.select %and3A_99, %sub3A_101, %div3A_80 : i32
      %ne3A_103 = arith.cmpi ne, %select_n3A, %select_n3A_102 : i32
      %or3A = arith.ori %eq3A_76, %ne3A_103 : i1
      %convert_element_type3A_104 = arith.extui %or3A : i1 to i32
      %cond3A_105 = arith.constant 0 : i32
      %cond3A_106 = arith.cmpi ne, %convert_element_type3A_104, %cond3A_105 : i32
      scf.if %cond3A_106 {
        %run_scoped3A = arith.constant 0 : i32
        "tpu.region"() ({
          %run_scoped3A_211 = tpu.sem_alloc : memref<!tpu.dma_semaphore, #tpu.memory_space<semaphore_mem>>
          %dma_start3A_212 = arith.constant 0 : i32
          %dma_start3A_213 = tpu.memref_slice %arg6[%run_scoped3A, %dma_start3A_212] : memref<1x16384xi32, #tpu.memory_space<vmem>> -> memref<1x16384xi32, #tpu.memory_space<vmem>>
          %dma_start3A_214 = tpu.memref_squeeze %dma_start3A_213 : memref<1x16384xi32, #tpu.memory_space<vmem>> -> memref<16384xi32, #tpu.memory_space<vmem>>
          %dma_start3A_215 = arith.constant 0 : i32
          %dma_start3A_216 = tpu.memref_slice %arg3[%select_n3A, %dma_start3A_215] : memref<26x16384xi32, #tpu.memory_space<hbm>> -> memref<1x16384xi32, #tpu.memory_space<hbm>>
          %dma_start3A_217 = tpu.memref_squeeze %dma_start3A_216 : memref<1x16384xi32, #tpu.memory_space<hbm>> -> memref<16384xi32, #tpu.memory_space<hbm>>
          %dma_start3A_218 = arith.constant 0 : i32
          %dma_start3A_219 = tpu.memref_slice %arg6[%run_scoped3A, %dma_start3A_218] : memref<1x16384xi32, #tpu.memory_space<vmem>> -> memref<1x16384xi32, #tpu.memory_space<vmem>>
          %dma_start3A_220 = tpu.memref_squeeze %dma_start3A_219 : memref<1x16384xi32, #tpu.memory_space<vmem>> -> memref<16384xi32, #tpu.memory_space<vmem>>
          %dma_start3A_221 = arith.constant 0 : i32
          %dma_start3A_222 = tpu.memref_slice %arg3[%select_n3A, %dma_start3A_221] : memref<26x16384xi32, #tpu.memory_space<hbm>> -> memref<1x16384xi32, #tpu.memory_space<hbm>>
          %dma_start3A_223 = tpu.memref_squeeze %dma_start3A_222 : memref<1x16384xi32, #tpu.memory_space<hbm>> -> memref<16384xi32, #tpu.memory_space<hbm>>
          tpu.enqueue_dma source(%dma_start3A_223 : memref<16384xi32, #tpu.memory_space<hbm>>) target(%dma_start3A_220 : memref<16384xi32, #tpu.memory_space<vmem>>) target_semaphore(%run_scoped3A_211 : memref<!tpu.dma_semaphore, #tpu.memory_space<semaphore_mem>>)
          %dma_wait3A_224 = arith.constant 0 : i32
          %dma_wait3A_225 = tpu.memref_slice %arg6[%run_scoped3A, %dma_wait3A_224] : memref<1x16384xi32, #tpu.memory_space<vmem>> -> memref<1x16384xi32, #tpu.memory_space<vmem>>
          %dma_wait3A_226 = tpu.memref_squeeze %dma_wait3A_225 : memref<1x16384xi32, #tpu.memory_space<vmem>> -> memref<16384xi32, #tpu.memory_space<vmem>>
          %dma_wait3A_227 = arith.constant 0 : i32
          %dma_wait3A_228 = tpu.memref_slice %arg3[%select_n3A, %dma_wait3A_227] : memref<26x16384xi32, #tpu.memory_space<hbm>> -> memref<1x16384xi32, #tpu.memory_space<hbm>>
          %dma_wait3A_229 = tpu.memref_squeeze %dma_wait3A_228 : memref<1x16384xi32, #tpu.memory_space<hbm>> -> memref<16384xi32, #tpu.memory_space<hbm>>
          %dma_wait3A_230 = arith.constant 0 : i32
          %dma_wait3A_231 = tpu.memref_slice %arg6[%run_scoped3A, %dma_wait3A_230] : memref<1x16384xi32, #tpu.memory_space<vmem>> -> memref<1x16384xi32, #tpu.memory_space<vmem>>
          %dma_wait3A_232 = tpu.memref_squeeze %dma_wait3A_231 : memref<1x16384xi32, #tpu.memory_space<vmem>> -> memref<16384xi32, #tpu.memory_space<vmem>>
          %dma_wait3A_233 = arith.constant 0 : i32
          %dma_wait3A_234 = tpu.memref_slice %arg3[%select_n3A, %dma_wait3A_233] : memref<26x16384xi32, #tpu.memory_space<hbm>> -> memref<1x16384xi32, #tpu.memory_space<hbm>>
          %dma_wait3A_235 = tpu.memref_squeeze %dma_wait3A_234 : memref<1x16384xi32, #tpu.memory_space<hbm>> -> memref<16384xi32, #tpu.memory_space<hbm>>
          tpu.wait_dma2 semaphore(%run_scoped3A_211 : memref<!tpu.dma_semaphore, #tpu.memory_space<semaphore_mem>>) src(%dma_wait3A_235 : memref<16384xi32, #tpu.memory_space<hbm>>) dst(%dma_wait3A_232 : memref<16384xi32, #tpu.memory_space<vmem>>)
          tpu.yield
        }) : () -> ()
      } else {
      }
      %dma_wait3A_107 = arith.constant 0 : i32
      %dma_wait3A_108 = arith.constant 0 : i32
      %dma_wait3A_109 = tpu.memref_slice %arg5[%dma_wait3A_107, %dma_wait3A_108] : memref<1x100000xf32, #tpu.memory_space<vmem>> -> memref<1x100000xf32, #tpu.memory_space<vmem>>
      %dma_wait3A_110 = tpu.memref_squeeze %dma_wait3A_109 : memref<1x100000xf32, #tpu.memory_space<vmem>> -> memref<100000xf32, #tpu.memory_space<vmem>>
      %dma_wait3A_111 = arith.constant 0 : i32
      %dma_wait3A_112 = tpu.memref_slice %arg2[%select_n3A, %sub3A_61, %dma_wait3A_111] : memref<26x32x100000xf32, #tpu.memory_space<hbm>> -> memref<1x1x100000xf32, #tpu.memory_space<hbm>>
      %dma_wait3A_113 = tpu.memref_squeeze %dma_wait3A_112 : memref<1x1x100000xf32, #tpu.memory_space<hbm>> -> memref<100000xf32, #tpu.memory_space<hbm>>
      %dma_wait3A_114 = arith.constant 0 : i32
      %dma_wait3A_115 = tpu.memref_slice %arg5[%dma_wait3A_107, %dma_wait3A_114] : memref<1x100000xf32, #tpu.memory_space<vmem>> -> memref<1x100000xf32, #tpu.memory_space<vmem>>
      %dma_wait3A_116 = tpu.memref_squeeze %dma_wait3A_115 : memref<1x100000xf32, #tpu.memory_space<vmem>> -> memref<100000xf32, #tpu.memory_space<vmem>>
      %dma_wait3A_117 = arith.constant 0 : i32
      %dma_wait3A_118 = tpu.memref_slice %arg2[%select_n3A, %sub3A_61, %dma_wait3A_117] : memref<26x32x100000xf32, #tpu.memory_space<hbm>> -> memref<1x1x100000xf32, #tpu.memory_space<hbm>>
      %dma_wait3A_119 = tpu.memref_squeeze %dma_wait3A_118 : memref<1x1x100000xf32, #tpu.memory_space<hbm>> -> memref<100000xf32, #tpu.memory_space<hbm>>
      tpu.wait_dma2 semaphore(%arg8 : memref<!tpu.dma_semaphore, #tpu.memory_space<semaphore_mem>>) src(%dma_wait3A_119 : memref<100000xf32, #tpu.memory_space<hbm>>) dst(%dma_wait3A_116 : memref<100000xf32, #tpu.memory_space<vmem>>)
      %parallel_loop3A = arith.constant 0 : i32
      %parallel_loop3A_120 = arith.constant 4096 : i32
      %parallel_loop3A_121 = arith.constant 16 : i32
      scf.for %parallel_loop3A_211 = %parallel_loop3A to %parallel_loop3A_120 step %parallel_loop3A_121  : i32 {
        %parallel_loop3A_212 = arith.constant 0 : i32
        %parallel_loop3A_213 = arith.addi %parallel_loop3A_212, %parallel_loop3A_211 : i32
        %parallel_loop3A_214 = arith.constant 0 : i32
        %parallel_loop3A_215 = arith.index_cast %parallel_loop3A_214 : i32 to index
        %parallel_loop3A_216 = arith.index_cast %parallel_loop3A_213 : i32 to index
        %parallel_loop3A_217 = tpu.vector_load %arg6[%parallel_loop3A_215, %parallel_loop3A_216] {strides = array<i32>} : memref<1x16384xi32, #tpu.memory_space<vmem>>, vector<16xi32>,
        %parallel_loop3A_218 = tpu.vector_load_idx %arg5[%broadcast_in_dim3A_1, %parallel_loop3A_217] : memref<1x100000xf32, #tpu.memory_space<vmem>>[vector<16xi32>, vector<16xi32>], vector<16xf32>,
        %parallel_loop3A_219 = arith.constant 0 : i32
        %parallel_loop3A_220 = arith.index_cast %parallel_loop3A_219 : i32 to index
        %parallel_loop3A_221 = arith.index_cast %parallel_loop3A_211 : i32 to index
        %parallel_loop3A_222 = tpu.vector_load %arg7[%parallel_loop3A_220, %parallel_loop3A_221] {strides = array<i32>} : memref<2x4096xf32, #tpu.memory_space<vmem>>, vector<16xf32>,
        tpu.vector_store %arg7[%parallel_loop3A_220, %parallel_loop3A_221], %parallel_loop3A_218 {strides = array<i32>} : memref<2x4096xf32, #tpu.memory_space<vmem>>, vector<16xf32>,
      } {sc.loop_unroll_factor = 16 : i64, sc.parallel_access}
      %dma_start3A_122 = arith.constant 0 : i32
      %dma_start3A_123 = arith.constant 0 : i32
      %dma_start3A_124 = tpu.memref_slice %arg7[%dma_start3A_122, %dma_start3A_123] : memref<2x4096xf32, #tpu.memory_space<vmem>> -> memref<1x4096xf32, #tpu.memory_space<vmem>>
      %dma_start3A_125 = tpu.memref_squeeze %dma_start3A_124 : memref<1x4096xf32, #tpu.memory_space<vmem>> -> memref<4096xf32, #tpu.memory_space<vmem>>
      %dma_start3A_126 = arith.constant 0 : i32
      %dma_start3A_127 = tpu.memref_slice %arg4[%add3A_40, %dma_start3A_126] : memref<416x16384xf32, #tpu.memory_space<hbm>> -> memref<1x4096xf32, #tpu.memory_space<hbm>>
      %dma_start3A_128 = tpu.memref_squeeze %dma_start3A_127 : memref<1x4096xf32, #tpu.memory_space<hbm>> -> memref<4096xf32, #tpu.memory_space<hbm>>
      %dma_start3A_129 = arith.constant 0 : i32
      %dma_start3A_130 = tpu.memref_slice %arg4[%add3A_40, %dma_start3A_129] : memref<416x16384xf32, #tpu.memory_space<hbm>> -> memref<1x4096xf32, #tpu.memory_space<hbm>>
      %dma_start3A_131 = tpu.memref_squeeze %dma_start3A_130 : memref<1x4096xf32, #tpu.memory_space<hbm>> -> memref<4096xf32, #tpu.memory_space<hbm>>
      %dma_start3A_132 = arith.constant 0 : i32
      %dma_start3A_133 = tpu.memref_slice %arg7[%dma_start3A_122, %dma_start3A_132] : memref<2x4096xf32, #tpu.memory_space<vmem>> -> memref<1x4096xf32, #tpu.memory_space<vmem>>
      %dma_start3A_134 = tpu.memref_squeeze %dma_start3A_133 : memref<1x4096xf32, #tpu.memory_space<vmem>> -> memref<4096xf32, #tpu.memory_space<vmem>>
      tpu.enqueue_dma source(%dma_start3A_134 : memref<4096xf32, #tpu.memory_space<vmem>>) target(%dma_start3A_131 : memref<4096xf32, #tpu.memory_space<hbm>>) target_semaphore(%arg9 : memref<!tpu.dma_semaphore, #tpu.memory_space<semaphore_mem>>)
      %parallel_loop3A_135 = arith.constant 0 : i32
      %parallel_loop3A_136 = arith.constant 4096 : i32
      %parallel_loop3A_137 = arith.constant 16 : i32
      scf.for %parallel_loop3A_211 = %parallel_loop3A_135 to %parallel_loop3A_136 step %parallel_loop3A_137  : i32 {
        %parallel_loop3A_212 = arith.constant 4096 : i32
        %parallel_loop3A_213 = arith.addi %parallel_loop3A_212, %parallel_loop3A_211 : i32
        %parallel_loop3A_214 = arith.constant 0 : i32
        %parallel_loop3A_215 = arith.index_cast %parallel_loop3A_214 : i32 to index
        %parallel_loop3A_216 = arith.index_cast %parallel_loop3A_213 : i32 to index
        %parallel_loop3A_217 = tpu.vector_load %arg6[%parallel_loop3A_215, %parallel_loop3A_216] {strides = array<i32>} : memref<1x16384xi32, #tpu.memory_space<vmem>>, vector<16xi32>,
        %parallel_loop3A_218 = tpu.vector_load_idx %arg5[%broadcast_in_dim3A_1, %parallel_loop3A_217] : memref<1x100000xf32, #tpu.memory_space<vmem>>[vector<16xi32>, vector<16xi32>], vector<16xf32>,
        %parallel_loop3A_219 = arith.constant 1 : i32
        %parallel_loop3A_220 = arith.index_cast %parallel_loop3A_219 : i32 to index
        %parallel_loop3A_221 = arith.index_cast %parallel_loop3A_211 : i32 to index
        %parallel_loop3A_222 = tpu.vector_load %arg7[%parallel_loop3A_220, %parallel_loop3A_221] {strides = array<i32>} : memref<2x4096xf32, #tpu.memory_space<vmem>>, vector<16xf32>,
        tpu.vector_store %arg7[%parallel_loop3A_220, %parallel_loop3A_221], %parallel_loop3A_218 {strides = array<i32>} : memref<2x4096xf32, #tpu.memory_space<vmem>>, vector<16xf32>,
      } {sc.loop_unroll_factor = 16 : i64, sc.parallel_access}
      %dma_start3A_138 = arith.constant 1 : i32
      %dma_start3A_139 = arith.constant 0 : i32
      %dma_start3A_140 = tpu.memref_slice %arg7[%dma_start3A_138, %dma_start3A_139] : memref<2x4096xf32, #tpu.memory_space<vmem>> -> memref<1x4096xf32, #tpu.memory_space<vmem>>
      %dma_start3A_141 = tpu.memref_squeeze %dma_start3A_140 : memref<1x4096xf32, #tpu.memory_space<vmem>> -> memref<4096xf32, #tpu.memory_space<vmem>>
      %dma_start3A_142 = arith.constant 4096 : i32
      %dma_start3A_143 = tpu.memref_slice %arg4[%add3A_40, %dma_start3A_142] : memref<416x16384xf32, #tpu.memory_space<hbm>> -> memref<1x4096xf32, #tpu.memory_space<hbm>>
      %dma_start3A_144 = tpu.memref_squeeze %dma_start3A_143 : memref<1x4096xf32, #tpu.memory_space<hbm>> -> memref<4096xf32, #tpu.memory_space<hbm>>
      %dma_start3A_145 = arith.constant 4096 : i32
      %dma_start3A_146 = tpu.memref_slice %arg4[%add3A_40, %dma_start3A_145] : memref<416x16384xf32, #tpu.memory_space<hbm>> -> memref<1x4096xf32, #tpu.memory_space<hbm>>
      %dma_start3A_147 = tpu.memref_squeeze %dma_start3A_146 : memref<1x4096xf32, #tpu.memory_space<hbm>> -> memref<4096xf32, #tpu.memory_space<hbm>>
      %dma_start3A_148 = arith.constant 0 : i32
      %dma_start3A_149 = tpu.memref_slice %arg7[%dma_start3A_138, %dma_start3A_148] : memref<2x4096xf32, #tpu.memory_space<vmem>> -> memref<1x4096xf32, #tpu.memory_space<vmem>>
      %dma_start3A_150 = tpu.memref_squeeze %dma_start3A_149 : memref<1x4096xf32, #tpu.memory_space<vmem>> -> memref<4096xf32, #tpu.memory_space<vmem>>
      tpu.enqueue_dma source(%dma_start3A_150 : memref<4096xf32, #tpu.memory_space<vmem>>) target(%dma_start3A_147 : memref<4096xf32, #tpu.memory_space<hbm>>) target_semaphore(%arg10 : memref<!tpu.dma_semaphore, #tpu.memory_space<semaphore_mem>>)
      %dma_wait3A_151 = arith.constant 0 : i32
      %dma_wait3A_152 = arith.constant 0 : i32
      %dma_wait3A_153 = arith.constant 0 : i32
      %dma_wait3A_154 = tpu.memref_slice %arg7[%dma_wait3A_151, %dma_wait3A_153] : memref<2x4096xf32, #tpu.memory_space<vmem>> -> memref<1x4096xf32, #tpu.memory_space<vmem>>
      %dma_wait3A_155 = tpu.memref_squeeze %dma_wait3A_154 : memref<1x4096xf32, #tpu.memory_space<vmem>> -> memref<4096xf32, #tpu.memory_space<vmem>>
      %dma_wait3A_156 = arith.constant 0 : i32
      %dma_wait3A_157 = tpu.memref_slice %arg4[%dma_wait3A_152, %dma_wait3A_156] : memref<416x16384xf32, #tpu.memory_space<hbm>> -> memref<1x4096xf32, #tpu.memory_space<hbm>>
      %dma_wait3A_158 = tpu.memref_squeeze %dma_wait3A_157 : memref<1x4096xf32, #tpu.memory_space<hbm>> -> memref<4096xf32, #tpu.memory_space<hbm>>
      %dma_wait3A_159 = arith.constant 0 : i32
      %dma_wait3A_160 = tpu.memref_slice %arg4[%dma_wait3A_152, %dma_wait3A_159] : memref<416x16384xf32, #tpu.memory_space<hbm>> -> memref<1x4096xf32, #tpu.memory_space<hbm>>
      %dma_wait3A_161 = tpu.memref_squeeze %dma_wait3A_160 : memref<1x4096xf32, #tpu.memory_space<hbm>> -> memref<4096xf32, #tpu.memory_space<hbm>>
      %dma_wait3A_162 = arith.constant 0 : i32
      %dma_wait3A_163 = tpu.memref_slice %arg7[%dma_wait3A_151, %dma_wait3A_162] : memref<2x4096xf32, #tpu.memory_space<vmem>> -> memref<1x4096xf32, #tpu.memory_space<vmem>>
      %dma_wait3A_164 = tpu.memref_squeeze %dma_wait3A_163 : memref<1x4096xf32, #tpu.memory_space<vmem>> -> memref<4096xf32, #tpu.memory_space<vmem>>
      tpu.wait_dma2 semaphore(%arg9 : memref<!tpu.dma_semaphore, #tpu.memory_space<semaphore_mem>>) src(%dma_wait3A_164 : memref<4096xf32, #tpu.memory_space<vmem>>) dst(%dma_wait3A_161 : memref<4096xf32, #tpu.memory_space<hbm>>)
      %parallel_loop3A_165 = arith.constant 0 : i32
      %parallel_loop3A_166 = arith.constant 4096 : i32
      %parallel_loop3A_167 = arith.constant 16 : i32
      scf.for %parallel_loop3A_211 = %parallel_loop3A_165 to %parallel_loop3A_166 step %parallel_loop3A_167  : i32 {
        %parallel_loop3A_212 = arith.constant 8192 : i32
        %parallel_loop3A_213 = arith.addi %parallel_loop3A_212, %parallel_loop3A_211 : i32
        %parallel_loop3A_214 = arith.constant 0 : i32
        %parallel_loop3A_215 = arith.index_cast %parallel_loop3A_214 : i32 to index
        %parallel_loop3A_216 = arith.index_cast %parallel_loop3A_213 : i32 to index
        %parallel_loop3A_217 = tpu.vector_load %arg6[%parallel_loop3A_215, %parallel_loop3A_216] {strides = array<i32>} : memref<1x16384xi32, #tpu.memory_space<vmem>>, vector<16xi32>,
        %parallel_loop3A_218 = tpu.vector_load_idx %arg5[%broadcast_in_dim3A_1, %parallel_loop3A_217] : memref<1x100000xf32, #tpu.memory_space<vmem>>[vector<16xi32>, vector<16xi32>], vector<16xf32>,
        %parallel_loop3A_219 = arith.constant 0 : i32
        %parallel_loop3A_220 = arith.index_cast %parallel_loop3A_219 : i32 to index
        %parallel_loop3A_221 = arith.index_cast %parallel_loop3A_211 : i32 to index
        %parallel_loop3A_222 = tpu.vector_load %arg7[%parallel_loop3A_220, %parallel_loop3A_221] {strides = array<i32>} : memref<2x4096xf32, #tpu.memory_space<vmem>>, vector<16xf32>,
        tpu.vector_store %arg7[%parallel_loop3A_220, %parallel_loop3A_221], %parallel_loop3A_218 {strides = array<i32>} : memref<2x4096xf32, #tpu.memory_space<vmem>>, vector<16xf32>,
      } {sc.loop_unroll_factor = 16 : i64, sc.parallel_access}
      %dma_start3A_168 = arith.constant 0 : i32
      %dma_start3A_169 = arith.constant 0 : i32
      %dma_start3A_170 = tpu.memref_slice %arg7[%dma_start3A_168, %dma_start3A_169] : memref<2x4096xf32, #tpu.memory_space<vmem>> -> memref<1x4096xf32, #tpu.memory_space<vmem>>
      %dma_start3A_171 = tpu.memref_squeeze %dma_start3A_170 : memref<1x4096xf32, #tpu.memory_space<vmem>> -> memref<4096xf32, #tpu.memory_space<vmem>>
      %dma_start3A_172 = arith.constant 8192 : i32
      %dma_start3A_173 = tpu.memref_slice %arg4[%add3A_40, %dma_start3A_172] : memref<416x16384xf32, #tpu.memory_space<hbm>> -> memref<1x4096xf32, #tpu.memory_space<hbm>>
      %dma_start3A_174 = tpu.memref_squeeze %dma_start3A_173 : memref<1x4096xf32, #tpu.memory_space<hbm>> -> memref<4096xf32, #tpu.memory_space<hbm>>
      %dma_start3A_175 = arith.constant 8192 : i32
      %dma_start3A_176 = tpu.memref_slice %arg4[%add3A_40, %dma_start3A_175] : memref<416x16384xf32, #tpu.memory_space<hbm>> -> memref<1x4096xf32, #tpu.memory_space<hbm>>
      %dma_start3A_177 = tpu.memref_squeeze %dma_start3A_176 : memref<1x4096xf32, #tpu.memory_space<hbm>> -> memref<4096xf32, #tpu.memory_space<hbm>>
      %dma_start3A_178 = arith.constant 0 : i32
      %dma_start3A_179 = tpu.memref_slice %arg7[%dma_start3A_168, %dma_start3A_178] : memref<2x4096xf32, #tpu.memory_space<vmem>> -> memref<1x4096xf32, #tpu.memory_space<vmem>>
      %dma_start3A_180 = tpu.memref_squeeze %dma_start3A_179 : memref<1x4096xf32, #tpu.memory_space<vmem>> -> memref<4096xf32, #tpu.memory_space<vmem>>
      tpu.enqueue_dma source(%dma_start3A_180 : memref<4096xf32, #tpu.memory_space<vmem>>) target(%dma_start3A_177 : memref<4096xf32, #tpu.memory_space<hbm>>) target_semaphore(%arg9 : memref<!tpu.dma_semaphore, #tpu.memory_space<semaphore_mem>>)
      %dma_wait3A_181 = arith.constant 0 : i32
      %dma_wait3A_182 = arith.constant 0 : i32
      %dma_wait3A_183 = arith.constant 0 : i32
      %dma_wait3A_184 = tpu.memref_slice %arg7[%dma_wait3A_181, %dma_wait3A_183] : memref<2x4096xf32, #tpu.memory_space<vmem>> -> memref<1x4096xf32, #tpu.memory_space<vmem>>
      %dma_wait3A_185 = tpu.memref_squeeze %dma_wait3A_184 : memref<1x4096xf32, #tpu.memory_space<vmem>> -> memref<4096xf32, #tpu.memory_space<vmem>>
      %dma_wait3A_186 = arith.constant 0 : i32
      %dma_wait3A_187 = tpu.memref_slice %arg4[%dma_wait3A_182, %dma_wait3A_186] : memref<416x16384xf32, #tpu.memory_space<hbm>> -> memref<1x4096xf32, #tpu.memory_space<hbm>>
      %dma_wait3A_188 = tpu.memref_squeeze %dma_wait3A_187 : memref<1x4096xf32, #tpu.memory_space<hbm>> -> memref<4096xf32, #tpu.memory_space<hbm>>
      %dma_wait3A_189 = arith.constant 0 : i32
      %dma_wait3A_190 = tpu.memref_slice %arg4[%dma_wait3A_182, %dma_wait3A_189] : memref<416x16384xf32, #tpu.memory_space<hbm>> -> memref<1x4096xf32, #tpu.memory_space<hbm>>
      %dma_wait3A_191 = tpu.memref_squeeze %dma_wait3A_190 : memref<1x4096xf32, #tpu.memory_space<hbm>> -> memref<4096xf32, #tpu.memory_space<hbm>>
      %dma_wait3A_192 = arith.constant 0 : i32
      %dma_wait3A_193 = tpu.memref_slice %arg7[%dma_wait3A_181, %dma_wait3A_192] : memref<2x4096xf32, #tpu.memory_space<vmem>> -> memref<1x4096xf32, #tpu.memory_space<vmem>>
      %dma_wait3A_194 = tpu.memref_squeeze %dma_wait3A_193 : memref<1x4096xf32, #tpu.memory_space<vmem>> -> memref<4096xf32, #tpu.memory_space<vmem>>
      tpu.wait_dma2 semaphore(%arg10 : memref<!tpu.dma_semaphore, #tpu.memory_space<semaphore_mem>>) src(%dma_wait3A_194 : memref<4096xf32, #tpu.memory_space<vmem>>) dst(%dma_wait3A_191 : memref<4096xf32, #tpu.memory_space<hbm>>)
      %parallel_loop3A_195 = arith.constant 0 : i32
      %parallel_loop3A_196 = arith.constant 4096 : i32
      %parallel_loop3A_197 = arith.constant 16 : i32
      scf.for %parallel_loop3A_211 = %parallel_loop3A_195 to %parallel_loop3A_196 step %parallel_loop3A_197  : i32 {
        %parallel_loop3A_212 = arith.constant 12288 : i32
        %parallel_loop3A_213 = arith.addi %parallel_loop3A_212, %parallel_loop3A_211 : i32
        %parallel_loop3A_214 = arith.constant 0 : i32
        %parallel_loop3A_215 = arith.index_cast %parallel_loop3A_214 : i32 to index
        %parallel_loop3A_216 = arith.index_cast %parallel_loop3A_213 : i32 to index
        %parallel_loop3A_217 = tpu.vector_load %arg6[%parallel_loop3A_215, %parallel_loop3A_216] {strides = array<i32>} : memref<1x16384xi32, #tpu.memory_space<vmem>>, vector<16xi32>,
        %parallel_loop3A_218 = tpu.vector_load_idx %arg5[%broadcast_in_dim3A_1, %parallel_loop3A_217] : memref<1x100000xf32, #tpu.memory_space<vmem>>[vector<16xi32>, vector<16xi32>], vector<16xf32>,
        %parallel_loop3A_219 = arith.constant 1 : i32
        %parallel_loop3A_220 = arith.index_cast %parallel_loop3A_219 : i32 to index
        %parallel_loop3A_221 = arith.index_cast %parallel_loop3A_211 : i32 to index
        %parallel_loop3A_222 = tpu.vector_load %arg7[%parallel_loop3A_220, %parallel_loop3A_221] {strides = array<i32>} : memref<2x4096xf32, #tpu.memory_space<vmem>>, vector<16xf32>,
        tpu.vector_store %arg7[%parallel_loop3A_220, %parallel_loop3A_221], %parallel_loop3A_218 {strides = array<i32>} : memref<2x4096xf32, #tpu.memory_space<vmem>>, vector<16xf32>,
      } {sc.loop_unroll_factor = 16 : i64, sc.parallel_access}
      %dma_start3A_198 = arith.constant 1 : i32
      %dma_start3A_199 = arith.constant 0 : i32
      %dma_start3A_200 = tpu.memref_slice %arg7[%dma_start3A_198, %dma_start3A_199] : memref<2x4096xf32, #tpu.memory_space<vmem>> -> memref<1x4096xf32, #tpu.memory_space<vmem>>
      %dma_start3A_201 = tpu.memref_squeeze %dma_start3A_200 : memref<1x4096xf32, #tpu.memory_space<vmem>> -> memref<4096xf32, #tpu.memory_space<vmem>>
      %dma_start3A_202 = arith.constant 12288 : i32
      %dma_start3A_203 = tpu.memref_slice %arg4[%add3A_40, %dma_start3A_202] : memref<416x16384xf32, #tpu.memory_space<hbm>> -> memref<1x4096xf32, #tpu.memory_space<hbm>>
      %dma_start3A_204 = tpu.memref_squeeze %dma_start3A_203 : memref<1x4096xf32, #tpu.memory_space<hbm>> -> memref<4096xf32, #tpu.memory_space<hbm>>
      %dma_start3A_205 = arith.constant 12288 : i32
      %dma_start3A_206 = tpu.memref_slice %arg4[%add3A_40, %dma_start3A_205] : memref<416x16384xf32, #tpu.memory_space<hbm>> -> memref<1x4096xf32, #tpu.memory_space<hbm>>
      %dma_start3A_207 = tpu.memref_squeeze %dma_start3A_206 : memref<1x4096xf32, #tpu.memory_space<hbm>> -> memref<4096xf32, #tpu.memory_space<hbm>>
      %dma_start3A_208 = arith.constant 0 : i32
      %dma_start3A_209 = tpu.memref_slice %arg7[%dma_start3A_198, %dma_start3A_208] : memref<2x4096xf32, #tpu.memory_space<vmem>> -> memref<1x4096xf32, #tpu.memory_space<vmem>>
      %dma_start3A_210 = tpu.memref_squeeze %dma_start3A_209 : memref<1x4096xf32, #tpu.memory_space<vmem>> -> memref<4096xf32, #tpu.memory_space<vmem>>
      tpu.enqueue_dma source(%dma_start3A_210 : memref<4096xf32, #tpu.memory_space<vmem>>) target(%dma_start3A_207 : memref<4096xf32, #tpu.memory_space<hbm>>) target_semaphore(%arg10 : memref<!tpu.dma_semaphore, #tpu.memory_space<semaphore_mem>>)
    }
    %scan3A_5 = arith.constant 13 : i32
    %dma_wait3A = arith.constant 0 : i32
    %dma_wait3A_6 = arith.constant 0 : i32
    %dma_wait3A_7 = arith.constant 0 : i32
    %dma_wait3A_8 = tpu.memref_slice %arg7[%dma_wait3A, %dma_wait3A_7] : memref<2x4096xf32, #tpu.memory_space<vmem>> -> memref<1x4096xf32, #tpu.memory_space<vmem>>
    %dma_wait3A_9 = tpu.memref_squeeze %dma_wait3A_8 : memref<1x4096xf32, #tpu.memory_space<vmem>> -> memref<4096xf32, #tpu.memory_space<vmem>>
    %dma_wait3A_10 = arith.constant 0 : i32
    %dma_wait3A_11 = tpu.memref_slice %arg4[%dma_wait3A_6, %dma_wait3A_10] : memref<416x16384xf32, #tpu.memory_space<hbm>> -> memref<1x4096xf32, #tpu.memory_space<hbm>>
    %dma_wait3A_12 = tpu.memref_squeeze %dma_wait3A_11 : memref<1x4096xf32, #tpu.memory_space<hbm>> -> memref<4096xf32, #tpu.memory_space<hbm>>
    %dma_wait3A_13 = arith.constant 0 : i32
    %dma_wait3A_14 = tpu.memref_slice %arg4[%dma_wait3A_6, %dma_wait3A_13] : memref<416x16384xf32, #tpu.memory_space<hbm>> -> memref<1x4096xf32, #tpu.memory_space<hbm>>
    %dma_wait3A_15 = tpu.memref_squeeze %dma_wait3A_14 : memref<1x4096xf32, #tpu.memory_space<hbm>> -> memref<4096xf32, #tpu.memory_space<hbm>>
    %dma_wait3A_16 = arith.constant 0 : i32
    %dma_wait3A_17 = tpu.memref_slice %arg7[%dma_wait3A, %dma_wait3A_16] : memref<2x4096xf32, #tpu.memory_space<vmem>> -> memref<1x4096xf32, #tpu.memory_space<vmem>>
    %dma_wait3A_18 = tpu.memref_squeeze %dma_wait3A_17 : memref<1x4096xf32, #tpu.memory_space<vmem>> -> memref<4096xf32, #tpu.memory_space<vmem>>
    tpu.wait_dma2 semaphore(%arg9 : memref<!tpu.dma_semaphore, #tpu.memory_space<semaphore_mem>>) src(%dma_wait3A_18 : memref<4096xf32, #tpu.memory_space<vmem>>) dst(%dma_wait3A_15 : memref<4096xf32, #tpu.memory_space<hbm>>)
    %dma_wait3A_19 = arith.constant 0 : i32
    %dma_wait3A_20 = arith.constant 0 : i32
    %dma_wait3A_21 = arith.constant 0 : i32
    %dma_wait3A_22 = tpu.memref_slice %arg7[%dma_wait3A_19, %dma_wait3A_21] : memref<2x4096xf32, #tpu.memory_space<vmem>> -> memref<1x4096xf32, #tpu.memory_space<vmem>>
    %dma_wait3A_23 = tpu.memref_squeeze %dma_wait3A_22 : memref<1x4096xf32, #tpu.memory_space<vmem>> -> memref<4096xf32, #tpu.memory_space<vmem>>
    %dma_wait3A_24 = arith.constant 0 : i32
    %dma_wait3A_25 = tpu.memref_slice %arg4[%dma_wait3A_20, %dma_wait3A_24] : memref<416x16384xf32, #tpu.memory_space<hbm>> -> memref<1x4096xf32, #tpu.memory_space<hbm>>
    %dma_wait3A_26 = tpu.memref_squeeze %dma_wait3A_25 : memref<1x4096xf32, #tpu.memory_space<hbm>> -> memref<4096xf32, #tpu.memory_space<hbm>>
    %dma_wait3A_27 = arith.constant 0 : i32
    %dma_wait3A_28 = tpu.memref_slice %arg4[%dma_wait3A_20, %dma_wait3A_27] : memref<416x16384xf32, #tpu.memory_space<hbm>> -> memref<1x4096xf32, #tpu.memory_space<hbm>>
    %dma_wait3A_29 = tpu.memref_squeeze %dma_wait3A_28 : memref<1x4096xf32, #tpu.memory_space<hbm>> -> memref<4096xf32, #tpu.memory_space<hbm>>
    %dma_wait3A_30 = arith.constant 0 : i32
    %dma_wait3A_31 = tpu.memref_slice %arg7[%dma_wait3A_19, %dma_wait3A_30] : memref<2x4096xf32, #tpu.memory_space<vmem>> -> memref<1x4096xf32, #tpu.memory_space<vmem>>
    %dma_wait3A_32 = tpu.memref_squeeze %dma_wait3A_31 : memref<1x4096xf32, #tpu.memory_space<vmem>> -> memref<4096xf32, #tpu.memory_space<vmem>>
    tpu.wait_dma2 semaphore(%arg10 : memref<!tpu.dma_semaphore, #tpu.memory_space<semaphore_mem>>) src(%dma_wait3A_32 : memref<4096xf32, #tpu.memory_space<vmem>>) dst(%dma_wait3A_29 : memref<4096xf32, #tpu.memory_space<hbm>>)
    return
  }
}

#map = affine_map<(d0, d1) -> (0, 0, 0)>
#map1 = affine_map<(d0, d1) -> (0, 0)>
module attributes {stable_mosaic.version = 14 : i64} {
  func.func @gather_kernel(%arg0: i32, %arg1: i32, %arg2: memref<26x32x100000xf32, #tpu.memory_space<hbm>>, %arg3: memref<26x16384xi32, #tpu.memory_space<hbm>>, %arg4: memref<416x16384xf32, #tpu.memory_space<hbm>>, %arg5: memref<1x100000xf32, #tpu.memory_space<vmem>>, %arg6: memref<1x16384xi32, #tpu.memory_space<vmem>>, %arg7: memref<2x4096xf32, #tpu.memory_space<vmem>>, %arg8: memref<!tpu.dma_semaphore, #tpu.memory_space<semaphore_mem>>, %arg9: memref<!tpu.dma_semaphore, #tpu.memory_space<semaphore_mem>>, %arg10: memref<!tpu.dma_semaphore, #tpu.memory_space<semaphore_mem>>) attributes {dimension_semantics = [#tpu.dimension_semantics<core_parallel>, #tpu.dimension_semantics<subcore_parallel>], iteration_bounds = array<i64: 2, 16>, scalar_prefetch = 0 : i64, scratch_operands = 6 : i64, tpu.core_type = #tpu.core_type<sc_vector_subcore>, window_params = [{transform_indices = #map}, {transform_indices = #map1}, {transform_indices = #map1}]} {
    %mul3A = arith.constant 16 : i32
    %mul3A_0 = arith.muli %arg0, %mul3A : i32
    %add3A = arith.addi %mul3A_0, %arg1 : i32
    %broadcast_in_dim3A = arith.constant 0 : i32
    %broadcast_in_dim3A_1 = vector.broadcast %broadcast_in_dim3A : i32 to vector<16xi32>
    %scan3A = arith.constant 0 : i32
    %scan3A_2 = arith.constant 13 : i32
    %scan3A_3 = arith.addi %scan3A, %scan3A_2 : i32
    %scan3A_4 = arith.constant 1 : i32
    scf.for %scan3A_33 = %scan3A to %scan3A_3 step %scan3A_4  : i32 {
      %mul3A_34 = arith.constant 1 : i32
      %mul3A_35 = arith.muli %scan3A_33, %mul3A_34 : i32
      %add3A_36 = arith.constant 0 : i32
      %add3A_37 = arith.addi %add3A_36, %mul3A_35 : i32
      %mul3A_38 = arith.constant 13 : i32
      %mul3A_39 = arith.muli %add3A, %mul3A_38 : i32
      %add3A_40 = arith.addi %mul3A_39, %add3A_37 : i32
      %add3A_41 = arith.constant 416 : i32
      %add3A_42 = arith.addi %add3A_41, %add3A_40 : i32
      %jit3A = arith.constant 32 : i32
      %div3A = arith.divsi %add3A_42, %jit3A : i32
      %sign3A = arith.constant 0 : i32
      %sign3A_43 = arith.cmpi sgt, %add3A_42, %sign3A : i32
      %sign3A_44 = arith.extui %sign3A_43 : i1 to i32
      %sign3A_45 = arith.constant 0 : i32
      %sign3A_46 = arith.cmpi slt, %add3A_42, %sign3A_45 : i32
      %sign3A_47 = arith.extui %sign3A_46 : i1 to i32
      %sign3A_48 = arith.subi %sign3A_44, %sign3A_47 : i32
      %sign3A_49 = arith.constant 0 : i32
      %sign3A_50 = arith.cmpi sgt, %jit3A, %sign3A_49 : i32
      %sign3A_51 = arith.extui %sign3A_50 : i1 to i32
      %sign3A_52 = arith.constant 0 : i32
      %sign3A_53 = arith.cmpi slt, %jit3A, %sign3A_52 : i32
      %sign3A_54 = arith.extui %sign3A_53 : i1 to i32
      %sign3A_55 = arith.subi %sign3A_51, %sign3A_54 : i32
      %ne3A = arith.cmpi ne, %sign3A_48, %sign3A_55 : i32
      %rem3A = arith.remsi %add3A_42, %jit3A : i32
      %ne3A_56 = arith.constant 0 : i32
      %ne3A_57 = arith.cmpi ne, %rem3A, %ne3A_56 : i32
      %and3A = arith.andi %ne3A, %ne3A_57 : i1
      %sub3A = arith.constant 1 : i32
      %sub3A_58 = arith.subi %div3A, %sub3A : i32
      %select_n3A = arith.select %and3A, %sub3A_58, %div3A : i32
      %mul3A_59 = arith.constant 32 : i32
      %mul3A_60 = arith.muli %select_n3A, %mul3A_59 : i32
      %sub3A_61 = arith.subi %add3A_42, %mul3A_60 : i32
      %dma_start3A = arith.constant 0 : i32
      %dma_start3A_62 = arith.constant 0 : i32
      %dma_start3A_63 = tpu.memref_slice %arg5[%dma_start3A, %dma_start3A_62] : memref<1x100000xf32, #tpu.memory_space<vmem>> -> memref<1x100000xf32, #tpu.memory_space<vmem>>
      %dma_start3A_64 = tpu.memref_squeeze %dma_start3A_63 : memref<1x100000xf32, #tpu.memory_space<vmem>> -> memref<100000xf32, #tpu.memory_space<vmem>>
      %dma_start3A_65 = arith.constant 0 : i32
      %dma_start3A_66 = tpu.memref_slice %arg2[%select_n3A, %sub3A_61, %dma_start3A_65] : memref<26x32x100000xf32, #tpu.memory_space<hbm>> -> memref<1x1x100000xf32, #tpu.memory_space<hbm>>
      %dma_start3A_67 = tpu.memref_squeeze %dma_start3A_66 : memref<1x1x100000xf32, #tpu.memory_space<hbm>> -> memref<100000xf32, #tpu.memory_space<hbm>>
      %dma_start3A_68 = arith.constant 0 : i32
      %dma_start3A_69 = tpu.memref_slice %arg5[%dma_start3A, %dma_start3A_68] : memref<1x100000xf32, #tpu.memory_space<vmem>> -> memref<1x100000xf32, #tpu.memory_space<vmem>>
      %dma_start3A_70 = tpu.memref_squeeze %dma_start3A_69 : memref<1x100000xf32, #tpu.memory_space<vmem>> -> memref<100000xf32, #tpu.memory_space<vmem>>
      %dma_start3A_71 = arith.constant 0 : i32
      %dma_start3A_72 = tpu.memref_slice %arg2[%select_n3A, %sub3A_61, %dma_start3A_71] : memref<26x32x100000xf32, #tpu.memory_space<hbm>> -> memref<1x1x100000xf32, #tpu.memory_space<hbm>>
      %dma_start3A_73 = tpu.memref_squeeze %dma_start3A_72 : memref<1x1x100000xf32, #tpu.memory_space<hbm>> -> memref<100000xf32, #tpu.memory_space<hbm>>
      tpu.enqueue_dma source(%dma_start3A_73 : memref<100000xf32, #tpu.memory_space<hbm>>) target(%dma_start3A_70 : memref<100000xf32, #tpu.memory_space<vmem>>) target_semaphore(%arg8 : memref<!tpu.dma_semaphore, #tpu.memory_space<semaphore_mem>>)
      %gt3A = arith.constant 0 : i32
      %gt3A_74 = arith.cmpi sgt, %add3A_37, %gt3A : i32
      %convert_element_type3A = arith.extui %gt3A_74 : i1 to i32
      %cond3A = arith.constant 0 : i32
      %cond3A_75 = arith.cmpi ne, %convert_element_type3A, %cond3A : i32
      scf.if %cond3A_75 {
        %dma_wait3A_211 = arith.constant 0 : i32
        %dma_wait3A_212 = arith.constant 0 : i32
        %dma_wait3A_213 = arith.constant 0 : i32
        %dma_wait3A_214 = tpu.memref_slice %arg7[%dma_wait3A_211, %dma_wait3A_213] : memref<2x4096xf32, #tpu.memory_space<vmem>> -> memref<1x4096xf32, #tpu.memory_space<vmem>>
        %dma_wait3A_215 = tpu.memref_squeeze %dma_wait3A_214 : memref<1x4096xf32, #tpu.memory_space<vmem>> -> memref<4096xf32, #tpu.memory_space<vmem>>
        %dma_wait3A_216 = arith.constant 0 : i32
        %dma_wait3A_217 = tpu.memref_slice %arg4[%dma_wait3A_212, %dma_wait3A_216] : memref<416x16384xf32, #tpu.memory_space<hbm>> -> memref<1x4096xf32, #tpu.memory_space<hbm>>
        %dma_wait3A_218 = tpu.memref_squeeze %dma_wait3A_217 : memref<1x4096xf32, #tpu.memory_space<hbm>> -> memref<4096xf32, #tpu.memory_space<hbm>>
        %dma_wait3A_219 = arith.constant 0 : i32
        %dma_wait3A_220 = tpu.memref_slice %arg4[%dma_wait3A_212, %dma_wait3A_219] : memref<416x16384xf32, #tpu.memory_space<hbm>> -> memref<1x4096xf32, #tpu.memory_space<hbm>>
        %dma_wait3A_221 = tpu.memref_squeeze %dma_wait3A_220 : memref<1x4096xf32, #tpu.memory_space<hbm>> -> memref<4096xf32, #tpu.memory_space<hbm>>
        %dma_wait3A_222 = arith.constant 0 : i32
        %dma_wait3A_223 = tpu.memref_slice %arg7[%dma_wait3A_211, %dma_wait3A_222] : memref<2x4096xf32, #tpu.memory_space<vmem>> -> memref<1x4096xf32, #tpu.memory_space<vmem>>
        %dma_wait3A_224 = tpu.memref_squeeze %dma_wait3A_223 : memref<1x4096xf32, #tpu.memory_space<vmem>> -> memref<4096xf32, #tpu.memory_space<vmem>>
        tpu.wait_dma2 semaphore(%arg9 : memref<!tpu.dma_semaphore, #tpu.memory_space<semaphore_mem>>) src(%dma_wait3A_224 : memref<4096xf32, #tpu.memory_space<vmem>>) dst(%dma_wait3A_221 : memref<4096xf32, #tpu.memory_space<hbm>>)
        %dma_wait3A_225 = arith.constant 0 : i32
        %dma_wait3A_226 = arith.constant 0 : i32
        %dma_wait3A_227 = arith.constant 0 : i32
        %dma_wait3A_228 = tpu.memref_slice %arg7[%dma_wait3A_225, %dma_wait3A_227] : memref<2x4096xf32, #tpu.memory_space<vmem>> -> memref<1x4096xf32, #tpu.memory_space<vmem>>
        %dma_wait3A_229 = tpu.memref_squeeze %dma_wait3A_228 : memref<1x4096xf32, #tpu.memory_space<vmem>> -> memref<4096xf32, #tpu.memory_space<vmem>>
        %dma_wait3A_230 = arith.constant 0 : i32
        %dma_wait3A_231 = tpu.memref_slice %arg4[%dma_wait3A_226, %dma_wait3A_230] : memref<416x16384xf32, #tpu.memory_space<hbm>> -> memref<1x4096xf32, #tpu.memory_space<hbm>>
        %dma_wait3A_232 = tpu.memref_squeeze %dma_wait3A_231 : memref<1x4096xf32, #tpu.memory_space<hbm>> -> memref<4096xf32, #tpu.memory_space<hbm>>
        %dma_wait3A_233 = arith.constant 0 : i32
        %dma_wait3A_234 = tpu.memref_slice %arg4[%dma_wait3A_226, %dma_wait3A_233] : memref<416x16384xf32, #tpu.memory_space<hbm>> -> memref<1x4096xf32, #tpu.memory_space<hbm>>
        %dma_wait3A_235 = tpu.memref_squeeze %dma_wait3A_234 : memref<1x4096xf32, #tpu.memory_space<hbm>> -> memref<4096xf32, #tpu.memory_space<hbm>>
        %dma_wait3A_236 = arith.constant 0 : i32
        %dma_wait3A_237 = tpu.memref_slice %arg7[%dma_wait3A_225, %dma_wait3A_236] : memref<2x4096xf32, #tpu.memory_space<vmem>> -> memref<1x4096xf32, #tpu.memory_space<vmem>>
        %dma_wait3A_238 = tpu.memref_squeeze %dma_wait3A_237 : memref<1x4096xf32, #tpu.memory_space<vmem>> -> memref<4096xf32, #tpu.memory_space<vmem>>
        tpu.wait_dma2 semaphore(%arg10 : memref<!tpu.dma_semaphore, #tpu.memory_space<semaphore_mem>>) src(%dma_wait3A_238 : memref<4096xf32, #tpu.memory_space<vmem>>) dst(%dma_wait3A_235 : memref<4096xf32, #tpu.memory_space<hbm>>)
      } else {
      }
      %eq3A = arith.constant 0 : i32
      %eq3A_76 = arith.cmpi eq, %add3A_37, %eq3A : i32
      %sub3A_77 = arith.constant 1 : i32
      %sub3A_78 = arith.subi %add3A_42, %sub3A_77 : i32
      %jit3A_79 = arith.constant 32 : i32
      %div3A_80 = arith.divsi %sub3A_78, %jit3A_79 : i32
      %sign3A_81 = arith.constant 0 : i32
      %sign3A_82 = arith.cmpi sgt, %sub3A_78, %sign3A_81 : i32
      %sign3A_83 = arith.extui %sign3A_82 : i1 to i32
      %sign3A_84 = arith.constant 0 : i32
      %sign3A_85 = arith.cmpi slt, %sub3A_78, %sign3A_84 : i32
      %sign3A_86 = arith.extui %sign3A_85 : i1 to i32
      %sign3A_87 = arith.subi %sign3A_83, %sign3A_86 : i32
      %sign3A_88 = arith.constant 0 : i32
      %sign3A_89 = arith.cmpi sgt, %jit3A_79, %sign3A_88 : i32
      %sign3A_90 = arith.extui %sign3A_89 : i1 to i32
      %sign3A_91 = arith.constant 0 : i32
      %sign3A_92 = arith.cmpi slt, %jit3A_79, %sign3A_91 : i32
      %sign3A_93 = arith.extui %sign3A_92 : i1 to i32
      %sign3A_94 = arith.subi %sign3A_90, %sign3A_93 : i32
      %ne3A_95 = arith.cmpi ne, %sign3A_87, %sign3A_94 : i32
      %rem3A_96 = arith.remsi %sub3A_78, %jit3A_79 : i32
      %ne3A_97 = arith.constant 0 : i32
      %ne3A_98 = arith.cmpi ne, %rem3A_96, %ne3A_97 : i32
      %and3A_99 = arith.andi %ne3A_95, %ne3A_98 : i1
      %sub3A_100 = arith.constant 1 : i32
      %sub3A_101 = arith.subi %div3A_80, %sub3A_100 : i32
      %select_n3A_102 = arith.select %and3A_99, %sub3A_101, %div3A_80 : i32
      %ne3A_103 = arith.cmpi ne, %select_n3A, %select_n3A_102 : i32
      %or3A = arith.ori %eq3A_76, %ne3A_103 : i1
      %convert_element_type3A_104 = arith.extui %or3A : i1 to i32
      %cond3A_105 = arith.constant 0 : i32
      %cond3A_106 = arith.cmpi ne, %convert_element_type3A_104, %cond3A_105 : i32
      scf.if %cond3A_106 {
        %run_scoped3A = arith.constant 0 : i32
        "tpu.region"() ({
          %run_scoped3A_211 = tpu.sem_alloc : memref<!tpu.dma_semaphore, #tpu.memory_space<semaphore_mem>>
          %dma_start3A_212 = arith.constant 0 : i32
          %dma_start3A_213 = tpu.memref_slice %arg6[%run_scoped3A, %dma_start3A_212] : memref<1x16384xi32, #tpu.memory_space<vmem>> -> memref<1x16384xi32, #tpu.memory_space<vmem>>
          %dma_start3A_214 = tpu.memref_squeeze %dma_start3A_213 : memref<1x16384xi32, #tpu.memory_space<vmem>> -> memref<16384xi32, #tpu.memory_space<vmem>>
          %dma_start3A_215 = arith.constant 0 : i32
          %dma_start3A_216 = tpu.memref_slice %arg3[%select_n3A, %dma_start3A_215] : memref<26x16384xi32, #tpu.memory_space<hbm>> -> memref<1x16384xi32, #tpu.memory_space<hbm>>
          %dma_start3A_217 = tpu.memref_squeeze %dma_start3A_216 : memref<1x16384xi32, #tpu.memory_space<hbm>> -> memref<16384xi32, #tpu.memory_space<hbm>>
          %dma_start3A_218 = arith.constant 0 : i32
          %dma_start3A_219 = tpu.memref_slice %arg6[%run_scoped3A, %dma_start3A_218] : memref<1x16384xi32, #tpu.memory_space<vmem>> -> memref<1x16384xi32, #tpu.memory_space<vmem>>
          %dma_start3A_220 = tpu.memref_squeeze %dma_start3A_219 : memref<1x16384xi32, #tpu.memory_space<vmem>> -> memref<16384xi32, #tpu.memory_space<vmem>>
          %dma_start3A_221 = arith.constant 0 : i32
          %dma_start3A_222 = tpu.memref_slice %arg3[%select_n3A, %dma_start3A_221] : memref<26x16384xi32, #tpu.memory_space<hbm>> -> memref<1x16384xi32, #tpu.memory_space<hbm>>
          %dma_start3A_223 = tpu.memref_squeeze %dma_start3A_222 : memref<1x16384xi32, #tpu.memory_space<hbm>> -> memref<16384xi32, #tpu.memory_space<hbm>>
          tpu.enqueue_dma source(%dma_start3A_223 : memref<16384xi32, #tpu.memory_space<hbm>>) target(%dma_start3A_220 : memref<16384xi32, #tpu.memory_space<vmem>>) target_semaphore(%run_scoped3A_211 : memref<!tpu.dma_semaphore, #tpu.memory_space<semaphore_mem>>)
          %dma_wait3A_224 = arith.constant 0 : i32
          %dma_wait3A_225 = tpu.memref_slice %arg6[%run_scoped3A, %dma_wait3A_224] : memref<1x16384xi32, #tpu.memory_space<vmem>> -> memref<1x16384xi32, #tpu.memory_space<vmem>>
          %dma_wait3A_226 = tpu.memref_squeeze %dma_wait3A_225 : memref<1x16384xi32, #tpu.memory_space<vmem>> -> memref<16384xi32, #tpu.memory_space<vmem>>
          %dma_wait3A_227 = arith.constant 0 : i32
          %dma_wait3A_228 = tpu.memref_slice %arg3[%select_n3A, %dma_wait3A_227] : memref<26x16384xi32, #tpu.memory_space<hbm>> -> memref<1x16384xi32, #tpu.memory_space<hbm>>
          %dma_wait3A_229 = tpu.memref_squeeze %dma_wait3A_228 : memref<1x16384xi32, #tpu.memory_space<hbm>> -> memref<16384xi32, #tpu.memory_space<hbm>>
          %dma_wait3A_230 = arith.constant 0 : i32
          %dma_wait3A_231 = tpu.memref_slice %arg6[%run_scoped3A, %dma_wait3A_230] : memref<1x16384xi32, #tpu.memory_space<vmem>> -> memref<1x16384xi32, #tpu.memory_space<vmem>>
          %dma_wait3A_232 = tpu.memref_squeeze %dma_wait3A_231 : memref<1x16384xi32, #tpu.memory_space<vmem>> -> memref<16384xi32, #tpu.memory_space<vmem>>
          %dma_wait3A_233 = arith.constant 0 : i32
          %dma_wait3A_234 = tpu.memref_slice %arg3[%select_n3A, %dma_wait3A_233] : memref<26x16384xi32, #tpu.memory_space<hbm>> -> memref<1x16384xi32, #tpu.memory_space<hbm>>
          %dma_wait3A_235 = tpu.memref_squeeze %dma_wait3A_234 : memref<1x16384xi32, #tpu.memory_space<hbm>> -> memref<16384xi32, #tpu.memory_space<hbm>>
          tpu.wait_dma2 semaphore(%run_scoped3A_211 : memref<!tpu.dma_semaphore, #tpu.memory_space<semaphore_mem>>) src(%dma_wait3A_235 : memref<16384xi32, #tpu.memory_space<hbm>>) dst(%dma_wait3A_232 : memref<16384xi32, #tpu.memory_space<vmem>>)
          tpu.yield
        }) : () -> ()
      } else {
      }
      %dma_wait3A_107 = arith.constant 0 : i32
      %dma_wait3A_108 = arith.constant 0 : i32
      %dma_wait3A_109 = tpu.memref_slice %arg5[%dma_wait3A_107, %dma_wait3A_108] : memref<1x100000xf32, #tpu.memory_space<vmem>> -> memref<1x100000xf32, #tpu.memory_space<vmem>>
      %dma_wait3A_110 = tpu.memref_squeeze %dma_wait3A_109 : memref<1x100000xf32, #tpu.memory_space<vmem>> -> memref<100000xf32, #tpu.memory_space<vmem>>
      %dma_wait3A_111 = arith.constant 0 : i32
      %dma_wait3A_112 = tpu.memref_slice %arg2[%select_n3A, %sub3A_61, %dma_wait3A_111] : memref<26x32x100000xf32, #tpu.memory_space<hbm>> -> memref<1x1x100000xf32, #tpu.memory_space<hbm>>
      %dma_wait3A_113 = tpu.memref_squeeze %dma_wait3A_112 : memref<1x1x100000xf32, #tpu.memory_space<hbm>> -> memref<100000xf32, #tpu.memory_space<hbm>>
      %dma_wait3A_114 = arith.constant 0 : i32
      %dma_wait3A_115 = tpu.memref_slice %arg5[%dma_wait3A_107, %dma_wait3A_114] : memref<1x100000xf32, #tpu.memory_space<vmem>> -> memref<1x100000xf32, #tpu.memory_space<vmem>>
      %dma_wait3A_116 = tpu.memref_squeeze %dma_wait3A_115 : memref<1x100000xf32, #tpu.memory_space<vmem>> -> memref<100000xf32, #tpu.memory_space<vmem>>
      %dma_wait3A_117 = arith.constant 0 : i32
      %dma_wait3A_118 = tpu.memref_slice %arg2[%select_n3A, %sub3A_61, %dma_wait3A_117] : memref<26x32x100000xf32, #tpu.memory_space<hbm>> -> memref<1x1x100000xf32, #tpu.memory_space<hbm>>
      %dma_wait3A_119 = tpu.memref_squeeze %dma_wait3A_118 : memref<1x1x100000xf32, #tpu.memory_space<hbm>> -> memref<100000xf32, #tpu.memory_space<hbm>>
      tpu.wait_dma2 semaphore(%arg8 : memref<!tpu.dma_semaphore, #tpu.memory_space<semaphore_mem>>) src(%dma_wait3A_119 : memref<100000xf32, #tpu.memory_space<hbm>>) dst(%dma_wait3A_116 : memref<100000xf32, #tpu.memory_space<vmem>>)
      %parallel_loop3A = arith.constant 0 : i32
      %parallel_loop3A_120 = arith.constant 4096 : i32
      %parallel_loop3A_121 = arith.constant 16 : i32
      scf.for %parallel_loop3A_211 = %parallel_loop3A to %parallel_loop3A_120 step %parallel_loop3A_121  : i32 {
        %parallel_loop3A_212 = arith.constant 0 : i32
        %parallel_loop3A_213 = arith.addi %parallel_loop3A_212, %parallel_loop3A_211 : i32
        %parallel_loop3A_214 = arith.constant 0 : i32
        %parallel_loop3A_215 = arith.index_cast %parallel_loop3A_214 : i32 to index
        %parallel_loop3A_216 = arith.index_cast %parallel_loop3A_213 : i32 to index
        %parallel_loop3A_217 = tpu.vector_load %arg6[%parallel_loop3A_215, %parallel_loop3A_216] {strides = array<i32>} : memref<1x16384xi32, #tpu.memory_space<vmem>>, vector<16xi32>,
        %parallel_loop3A_218 = tpu.vector_load_idx %arg5[%broadcast_in_dim3A_1, %parallel_loop3A_217] : memref<1x100000xf32, #tpu.memory_space<vmem>>[vector<16xi32>, vector<16xi32>], vector<16xf32>,
        %parallel_loop3A_219 = arith.constant 0 : i32
        %parallel_loop3A_220 = arith.index_cast %parallel_loop3A_219 : i32 to index
        %parallel_loop3A_221 = arith.index_cast %parallel_loop3A_211 : i32 to index
        %parallel_loop3A_222 = tpu.vector_load %arg7[%parallel_loop3A_220, %parallel_loop3A_221] {strides = array<i32>} : memref<2x4096xf32, #tpu.memory_space<vmem>>, vector<16xf32>,
        tpu.vector_store %arg7[%parallel_loop3A_220, %parallel_loop3A_221], %parallel_loop3A_218 {strides = array<i32>} : memref<2x4096xf32, #tpu.memory_space<vmem>>, vector<16xf32>,
      } {sc.loop_unroll_factor = 16 : i64, sc.parallel_access}
      %dma_start3A_122 = arith.constant 0 : i32
      %dma_start3A_123 = arith.constant 0 : i32
      %dma_start3A_124 = tpu.memref_slice %arg7[%dma_start3A_122, %dma_start3A_123] : memref<2x4096xf32, #tpu.memory_space<vmem>> -> memref<1x4096xf32, #tpu.memory_space<vmem>>
      %dma_start3A_125 = tpu.memref_squeeze %dma_start3A_124 : memref<1x4096xf32, #tpu.memory_space<vmem>> -> memref<4096xf32, #tpu.memory_space<vmem>>
      %dma_start3A_126 = arith.constant 0 : i32
      %dma_start3A_127 = tpu.memref_slice %arg4[%add3A_40, %dma_start3A_126] : memref<416x16384xf32, #tpu.memory_space<hbm>> -> memref<1x4096xf32, #tpu.memory_space<hbm>>
      %dma_start3A_128 = tpu.memref_squeeze %dma_start3A_127 : memref<1x4096xf32, #tpu.memory_space<hbm>> -> memref<4096xf32, #tpu.memory_space<hbm>>
      %dma_start3A_129 = arith.constant 0 : i32
      %dma_start3A_130 = tpu.memref_slice %arg4[%add3A_40, %dma_start3A_129] : memref<416x16384xf32, #tpu.memory_space<hbm>> -> memref<1x4096xf32, #tpu.memory_space<hbm>>
      %dma_start3A_131 = tpu.memref_squeeze %dma_start3A_130 : memref<1x4096xf32, #tpu.memory_space<hbm>> -> memref<4096xf32, #tpu.memory_space<hbm>>
      %dma_start3A_132 = arith.constant 0 : i32
      %dma_start3A_133 = tpu.memref_slice %arg7[%dma_start3A_122, %dma_start3A_132] : memref<2x4096xf32, #tpu.memory_space<vmem>> -> memref<1x4096xf32, #tpu.memory_space<vmem>>
      %dma_start3A_134 = tpu.memref_squeeze %dma_start3A_133 : memref<1x4096xf32, #tpu.memory_space<vmem>> -> memref<4096xf32, #tpu.memory_space<vmem>>
      tpu.enqueue_dma source(%dma_start3A_134 : memref<4096xf32, #tpu.memory_space<vmem>>) target(%dma_start3A_131 : memref<4096xf32, #tpu.memory_space<hbm>>) target_semaphore(%arg9 : memref<!tpu.dma_semaphore, #tpu.memory_space<semaphore_mem>>)
      %parallel_loop3A_135 = arith.constant 0 : i32
      %parallel_loop3A_136 = arith.constant 4096 : i32
      %parallel_loop3A_137 = arith.constant 16 : i32
      scf.for %parallel_loop3A_211 = %parallel_loop3A_135 to %parallel_loop3A_136 step %parallel_loop3A_137  : i32 {
        %parallel_loop3A_212 = arith.constant 4096 : i32
        %parallel_loop3A_213 = arith.addi %parallel_loop3A_212, %parallel_loop3A_211 : i32
        %parallel_loop3A_214 = arith.constant 0 : i32
        %parallel_loop3A_215 = arith.index_cast %parallel_loop3A_214 : i32 to index
        %parallel_loop3A_216 = arith.index_cast %parallel_loop3A_213 : i32 to index
        %parallel_loop3A_217 = tpu.vector_load %arg6[%parallel_loop3A_215, %parallel_loop3A_216] {strides = array<i32>} : memref<1x16384xi32, #tpu.memory_space<vmem>>, vector<16xi32>,
        %parallel_loop3A_218 = tpu.vector_load_idx %arg5[%broadcast_in_dim3A_1, %parallel_loop3A_217] : memref<1x100000xf32, #tpu.memory_space<vmem>>[vector<16xi32>, vector<16xi32>], vector<16xf32>,
        %parallel_loop3A_219 = arith.constant 1 : i32
        %parallel_loop3A_220 = arith.index_cast %parallel_loop3A_219 : i32 to index
        %parallel_loop3A_221 = arith.index_cast %parallel_loop3A_211 : i32 to index
        %parallel_loop3A_222 = tpu.vector_load %arg7[%parallel_loop3A_220, %parallel_loop3A_221] {strides = array<i32>} : memref<2x4096xf32, #tpu.memory_space<vmem>>, vector<16xf32>,
        tpu.vector_store %arg7[%parallel_loop3A_220, %parallel_loop3A_221], %parallel_loop3A_218 {strides = array<i32>} : memref<2x4096xf32, #tpu.memory_space<vmem>>, vector<16xf32>,
      } {sc.loop_unroll_factor = 16 : i64, sc.parallel_access}
      %dma_start3A_138 = arith.constant 1 : i32
      %dma_start3A_139 = arith.constant 0 : i32
      %dma_start3A_140 = tpu.memref_slice %arg7[%dma_start3A_138, %dma_start3A_139] : memref<2x4096xf32, #tpu.memory_space<vmem>> -> memref<1x4096xf32, #tpu.memory_space<vmem>>
      %dma_start3A_141 = tpu.memref_squeeze %dma_start3A_140 : memref<1x4096xf32, #tpu.memory_space<vmem>> -> memref<4096xf32, #tpu.memory_space<vmem>>
      %dma_start3A_142 = arith.constant 4096 : i32
      %dma_start3A_143 = tpu.memref_slice %arg4[%add3A_40, %dma_start3A_142] : memref<416x16384xf32, #tpu.memory_space<hbm>> -> memref<1x4096xf32, #tpu.memory_space<hbm>>
      %dma_start3A_144 = tpu.memref_squeeze %dma_start3A_143 : memref<1x4096xf32, #tpu.memory_space<hbm>> -> memref<4096xf32, #tpu.memory_space<hbm>>
      %dma_start3A_145 = arith.constant 4096 : i32
      %dma_start3A_146 = tpu.memref_slice %arg4[%add3A_40, %dma_start3A_145] : memref<416x16384xf32, #tpu.memory_space<hbm>> -> memref<1x4096xf32, #tpu.memory_space<hbm>>
      %dma_start3A_147 = tpu.memref_squeeze %dma_start3A_146 : memref<1x4096xf32, #tpu.memory_space<hbm>> -> memref<4096xf32, #tpu.memory_space<hbm>>
      %dma_start3A_148 = arith.constant 0 : i32
      %dma_start3A_149 = tpu.memref_slice %arg7[%dma_start3A_138, %dma_start3A_148] : memref<2x4096xf32, #tpu.memory_space<vmem>> -> memref<1x4096xf32, #tpu.memory_space<vmem>>
      %dma_start3A_150 = tpu.memref_squeeze %dma_start3A_149 : memref<1x4096xf32, #tpu.memory_space<vmem>> -> memref<4096xf32, #tpu.memory_space<vmem>>
      tpu.enqueue_dma source(%dma_start3A_150 : memref<4096xf32, #tpu.memory_space<vmem>>) target(%dma_start3A_147 : memref<4096xf32, #tpu.memory_space<hbm>>) target_semaphore(%arg10 : memref<!tpu.dma_semaphore, #tpu.memory_space<semaphore_mem>>)
      %dma_wait3A_151 = arith.constant 0 : i32
      %dma_wait3A_152 = arith.constant 0 : i32
      %dma_wait3A_153 = arith.constant 0 : i32
      %dma_wait3A_154 = tpu.memref_slice %arg7[%dma_wait3A_151, %dma_wait3A_153] : memref<2x4096xf32, #tpu.memory_space<vmem>> -> memref<1x4096xf32, #tpu.memory_space<vmem>>
      %dma_wait3A_155 = tpu.memref_squeeze %dma_wait3A_154 : memref<1x4096xf32, #tpu.memory_space<vmem>> -> memref<4096xf32, #tpu.memory_space<vmem>>
      %dma_wait3A_156 = arith.constant 0 : i32
      %dma_wait3A_157 = tpu.memref_slice %arg4[%dma_wait3A_152, %dma_wait3A_156] : memref<416x16384xf32, #tpu.memory_space<hbm>> -> memref<1x4096xf32, #tpu.memory_space<hbm>>
      %dma_wait3A_158 = tpu.memref_squeeze %dma_wait3A_157 : memref<1x4096xf32, #tpu.memory_space<hbm>> -> memref<4096xf32, #tpu.memory_space<hbm>>
      %dma_wait3A_159 = arith.constant 0 : i32
      %dma_wait3A_160 = tpu.memref_slice %arg4[%dma_wait3A_152, %dma_wait3A_159] : memref<416x16384xf32, #tpu.memory_space<hbm>> -> memref<1x4096xf32, #tpu.memory_space<hbm>>
      %dma_wait3A_161 = tpu.memref_squeeze %dma_wait3A_160 : memref<1x4096xf32, #tpu.memory_space<hbm>> -> memref<4096xf32, #tpu.memory_space<hbm>>
      %dma_wait3A_162 = arith.constant 0 : i32
      %dma_wait3A_163 = tpu.memref_slice %arg7[%dma_wait3A_151, %dma_wait3A_162] : memref<2x4096xf32, #tpu.memory_space<vmem>> -> memref<1x4096xf32, #tpu.memory_space<vmem>>
      %dma_wait3A_164 = tpu.memref_squeeze %dma_wait3A_163 : memref<1x4096xf32, #tpu.memory_space<vmem>> -> memref<4096xf32, #tpu.memory_space<vmem>>
      tpu.wait_dma2 semaphore(%arg9 : memref<!tpu.dma_semaphore, #tpu.memory_space<semaphore_mem>>) src(%dma_wait3A_164 : memref<4096xf32, #tpu.memory_space<vmem>>) dst(%dma_wait3A_161 : memref<4096xf32, #tpu.memory_space<hbm>>)
      %parallel_loop3A_165 = arith.constant 0 : i32
      %parallel_loop3A_166 = arith.constant 4096 : i32
      %parallel_loop3A_167 = arith.constant 16 : i32
      scf.for %parallel_loop3A_211 = %parallel_loop3A_165 to %parallel_loop3A_166 step %parallel_loop3A_167  : i32 {
        %parallel_loop3A_212 = arith.constant 8192 : i32
        %parallel_loop3A_213 = arith.addi %parallel_loop3A_212, %parallel_loop3A_211 : i32
        %parallel_loop3A_214 = arith.constant 0 : i32
        %parallel_loop3A_215 = arith.index_cast %parallel_loop3A_214 : i32 to index
        %parallel_loop3A_216 = arith.index_cast %parallel_loop3A_213 : i32 to index
        %parallel_loop3A_217 = tpu.vector_load %arg6[%parallel_loop3A_215, %parallel_loop3A_216] {strides = array<i32>} : memref<1x16384xi32, #tpu.memory_space<vmem>>, vector<16xi32>,
        %parallel_loop3A_218 = tpu.vector_load_idx %arg5[%broadcast_in_dim3A_1, %parallel_loop3A_217] : memref<1x100000xf32, #tpu.memory_space<vmem>>[vector<16xi32>, vector<16xi32>], vector<16xf32>,
        %parallel_loop3A_219 = arith.constant 0 : i32
        %parallel_loop3A_220 = arith.index_cast %parallel_loop3A_219 : i32 to index
        %parallel_loop3A_221 = arith.index_cast %parallel_loop3A_211 : i32 to index
        %parallel_loop3A_222 = tpu.vector_load %arg7[%parallel_loop3A_220, %parallel_loop3A_221] {strides = array<i32>} : memref<2x4096xf32, #tpu.memory_space<vmem>>, vector<16xf32>,
        tpu.vector_store %arg7[%parallel_loop3A_220, %parallel_loop3A_221], %parallel_loop3A_218 {strides = array<i32>} : memref<2x4096xf32, #tpu.memory_space<vmem>>, vector<16xf32>,
      } {sc.loop_unroll_factor = 16 : i64, sc.parallel_access}
      %dma_start3A_168 = arith.constant 0 : i32
      %dma_start3A_169 = arith.constant 0 : i32
      %dma_start3A_170 = tpu.memref_slice %arg7[%dma_start3A_168, %dma_start3A_169] : memref<2x4096xf32, #tpu.memory_space<vmem>> -> memref<1x4096xf32, #tpu.memory_space<vmem>>
      %dma_start3A_171 = tpu.memref_squeeze %dma_start3A_170 : memref<1x4096xf32, #tpu.memory_space<vmem>> -> memref<4096xf32, #tpu.memory_space<vmem>>
      %dma_start3A_172 = arith.constant 8192 : i32
      %dma_start3A_173 = tpu.memref_slice %arg4[%add3A_40, %dma_start3A_172] : memref<416x16384xf32, #tpu.memory_space<hbm>> -> memref<1x4096xf32, #tpu.memory_space<hbm>>
      %dma_start3A_174 = tpu.memref_squeeze %dma_start3A_173 : memref<1x4096xf32, #tpu.memory_space<hbm>> -> memref<4096xf32, #tpu.memory_space<hbm>>
      %dma_start3A_175 = arith.constant 8192 : i32
      %dma_start3A_176 = tpu.memref_slice %arg4[%add3A_40, %dma_start3A_175] : memref<416x16384xf32, #tpu.memory_space<hbm>> -> memref<1x4096xf32, #tpu.memory_space<hbm>>
      %dma_start3A_177 = tpu.memref_squeeze %dma_start3A_176 : memref<1x4096xf32, #tpu.memory_space<hbm>> -> memref<4096xf32, #tpu.memory_space<hbm>>
      %dma_start3A_178 = arith.constant 0 : i32
      %dma_start3A_179 = tpu.memref_slice %arg7[%dma_start3A_168, %dma_start3A_178] : memref<2x4096xf32, #tpu.memory_space<vmem>> -> memref<1x4096xf32, #tpu.memory_space<vmem>>
      %dma_start3A_180 = tpu.memref_squeeze %dma_start3A_179 : memref<1x4096xf32, #tpu.memory_space<vmem>> -> memref<4096xf32, #tpu.memory_space<vmem>>
      tpu.enqueue_dma source(%dma_start3A_180 : memref<4096xf32, #tpu.memory_space<vmem>>) target(%dma_start3A_177 : memref<4096xf32, #tpu.memory_space<hbm>>) target_semaphore(%arg9 : memref<!tpu.dma_semaphore, #tpu.memory_space<semaphore_mem>>)
      %dma_wait3A_181 = arith.constant 0 : i32
      %dma_wait3A_182 = arith.constant 0 : i32
      %dma_wait3A_183 = arith.constant 0 : i32
      %dma_wait3A_184 = tpu.memref_slice %arg7[%dma_wait3A_181, %dma_wait3A_183] : memref<2x4096xf32, #tpu.memory_space<vmem>> -> memref<1x4096xf32, #tpu.memory_space<vmem>>
      %dma_wait3A_185 = tpu.memref_squeeze %dma_wait3A_184 : memref<1x4096xf32, #tpu.memory_space<vmem>> -> memref<4096xf32, #tpu.memory_space<vmem>>
      %dma_wait3A_186 = arith.constant 0 : i32
      %dma_wait3A_187 = tpu.memref_slice %arg4[%dma_wait3A_182, %dma_wait3A_186] : memref<416x16384xf32, #tpu.memory_space<hbm>> -> memref<1x4096xf32, #tpu.memory_space<hbm>>
      %dma_wait3A_188 = tpu.memref_squeeze %dma_wait3A_187 : memref<1x4096xf32, #tpu.memory_space<hbm>> -> memref<4096xf32, #tpu.memory_space<hbm>>
      %dma_wait3A_189 = arith.constant 0 : i32
      %dma_wait3A_190 = tpu.memref_slice %arg4[%dma_wait3A_182, %dma_wait3A_189] : memref<416x16384xf32, #tpu.memory_space<hbm>> -> memref<1x4096xf32, #tpu.memory_space<hbm>>
      %dma_wait3A_191 = tpu.memref_squeeze %dma_wait3A_190 : memref<1x4096xf32, #tpu.memory_space<hbm>> -> memref<4096xf32, #tpu.memory_space<hbm>>
      %dma_wait3A_192 = arith.constant 0 : i32
      %dma_wait3A_193 = tpu.memref_slice %arg7[%dma_wait3A_181, %dma_wait3A_192] : memref<2x4096xf32, #tpu.memory_space<vmem>> -> memref<1x4096xf32, #tpu.memory_space<vmem>>
      %dma_wait3A_194 = tpu.memref_squeeze %dma_wait3A_193 : memref<1x4096xf32, #tpu.memory_space<vmem>> -> memref<4096xf32, #tpu.memory_space<vmem>>
      tpu.wait_dma2 semaphore(%arg10 : memref<!tpu.dma_semaphore, #tpu.memory_space<semaphore_mem>>) src(%dma_wait3A_194 : memref<4096xf32, #tpu.memory_space<vmem>>) dst(%dma_wait3A_191 : memref<4096xf32, #tpu.memory_space<hbm>>)
      %parallel_loop3A_195 = arith.constant 0 : i32
      %parallel_loop3A_196 = arith.constant 4096 : i32
      %parallel_loop3A_197 = arith.constant 16 : i32
      scf.for %parallel_loop3A_211 = %parallel_loop3A_195 to %parallel_loop3A_196 step %parallel_loop3A_197  : i32 {
        %parallel_loop3A_212 = arith.constant 12288 : i32
        %parallel_loop3A_213 = arith.addi %parallel_loop3A_212, %parallel_loop3A_211 : i32
        %parallel_loop3A_214 = arith.constant 0 : i32
        %parallel_loop3A_215 = arith.index_cast %parallel_loop3A_214 : i32 to index
        %parallel_loop3A_216 = arith.index_cast %parallel_loop3A_213 : i32 to index
        %parallel_loop3A_217 = tpu.vector_load %arg6[%parallel_loop3A_215, %parallel_loop3A_216] {strides = array<i32>} : memref<1x16384xi32, #tpu.memory_space<vmem>>, vector<16xi32>,
        %parallel_loop3A_218 = tpu.vector_load_idx %arg5[%broadcast_in_dim3A_1, %parallel_loop3A_217] : memref<1x100000xf32, #tpu.memory_space<vmem>>[vector<16xi32>, vector<16xi32>], vector<16xf32>,
        %parallel_loop3A_219 = arith.constant 1 : i32
        %parallel_loop3A_220 = arith.index_cast %parallel_loop3A_219 : i32 to index
        %parallel_loop3A_221 = arith.index_cast %parallel_loop3A_211 : i32 to index
        %parallel_loop3A_222 = tpu.vector_load %arg7[%parallel_loop3A_220, %parallel_loop3A_221] {strides = array<i32>} : memref<2x4096xf32, #tpu.memory_space<vmem>>, vector<16xf32>,
        tpu.vector_store %arg7[%parallel_loop3A_220, %parallel_loop3A_221], %parallel_loop3A_218 {strides = array<i32>} : memref<2x4096xf32, #tpu.memory_space<vmem>>, vector<16xf32>,
      } {sc.loop_unroll_factor = 16 : i64, sc.parallel_access}
      %dma_start3A_198 = arith.constant 1 : i32
      %dma_start3A_199 = arith.constant 0 : i32
      %dma_start3A_200 = tpu.memref_slice %arg7[%dma_start3A_198, %dma_start3A_199] : memref<2x4096xf32, #tpu.memory_space<vmem>> -> memref<1x4096xf32, #tpu.memory_space<vmem>>
      %dma_start3A_201 = tpu.memref_squeeze %dma_start3A_200 : memref<1x4096xf32, #tpu.memory_space<vmem>> -> memref<4096xf32, #tpu.memory_space<vmem>>
      %dma_start3A_202 = arith.constant 12288 : i32
      %dma_start3A_203 = tpu.memref_slice %arg4[%add3A_40, %dma_start3A_202] : memref<416x16384xf32, #tpu.memory_space<hbm>> -> memref<1x4096xf32, #tpu.memory_space<hbm>>
      %dma_start3A_204 = tpu.memref_squeeze %dma_start3A_203 : memref<1x4096xf32, #tpu.memory_space<hbm>> -> memref<4096xf32, #tpu.memory_space<hbm>>
      %dma_start3A_205 = arith.constant 12288 : i32
      %dma_start3A_206 = tpu.memref_slice %arg4[%add3A_40, %dma_start3A_205] : memref<416x16384xf32, #tpu.memory_space<hbm>> -> memref<1x4096xf32, #tpu.memory_space<hbm>>
      %dma_start3A_207 = tpu.memref_squeeze %dma_start3A_206 : memref<1x4096xf32, #tpu.memory_space<hbm>> -> memref<4096xf32, #tpu.memory_space<hbm>>
      %dma_start3A_208 = arith.constant 0 : i32
      %dma_start3A_209 = tpu.memref_slice %arg7[%dma_start3A_198, %dma_start3A_208] : memref<2x4096xf32, #tpu.memory_space<vmem>> -> memref<1x4096xf32, #tpu.memory_space<vmem>>
      %dma_start3A_210 = tpu.memref_squeeze %dma_start3A_209 : memref<1x4096xf32, #tpu.memory_space<vmem>> -> memref<4096xf32, #tpu.memory_space<vmem>>
      tpu.enqueue_dma source(%dma_start3A_210 : memref<4096xf32, #tpu.memory_space<vmem>>) target(%dma_start3A_207 : memref<4096xf32, #tpu.memory_space<hbm>>) target_semaphore(%arg10 : memref<!tpu.dma_semaphore, #tpu.memory_space<semaphore_mem>>)
    }
    %scan3A_5 = arith.constant 13 : i32
    %dma_wait3A = arith.constant 0 : i32
    %dma_wait3A_6 = arith.constant 0 : i32
    %dma_wait3A_7 = arith.constant 0 : i32
    %dma_wait3A_8 = tpu.memref_slice %arg7[%dma_wait3A, %dma_wait3A_7] : memref<2x4096xf32, #tpu.memory_space<vmem>> -> memref<1x4096xf32, #tpu.memory_space<vmem>>
    %dma_wait3A_9 = tpu.memref_squeeze %dma_wait3A_8 : memref<1x4096xf32, #tpu.memory_space<vmem>> -> memref<4096xf32, #tpu.memory_space<vmem>>
    %dma_wait3A_10 = arith.constant 0 : i32
    %dma_wait3A_11 = tpu.memref_slice %arg4[%dma_wait3A_6, %dma_wait3A_10] : memref<416x16384xf32, #tpu.memory_space<hbm>> -> memref<1x4096xf32, #tpu.memory_space<hbm>>
    %dma_wait3A_12 = tpu.memref_squeeze %dma_wait3A_11 : memref<1x4096xf32, #tpu.memory_space<hbm>> -> memref<4096xf32, #tpu.memory_space<hbm>>
    %dma_wait3A_13 = arith.constant 0 : i32
    %dma_wait3A_14 = tpu.memref_slice %arg4[%dma_wait3A_6, %dma_wait3A_13] : memref<416x16384xf32, #tpu.memory_space<hbm>> -> memref<1x4096xf32, #tpu.memory_space<hbm>>
    %dma_wait3A_15 = tpu.memref_squeeze %dma_wait3A_14 : memref<1x4096xf32, #tpu.memory_space<hbm>> -> memref<4096xf32, #tpu.memory_space<hbm>>
    %dma_wait3A_16 = arith.constant 0 : i32
    %dma_wait3A_17 = tpu.memref_slice %arg7[%dma_wait3A, %dma_wait3A_16] : memref<2x4096xf32, #tpu.memory_space<vmem>> -> memref<1x4096xf32, #tpu.memory_space<vmem>>
    %dma_wait3A_18 = tpu.memref_squeeze %dma_wait3A_17 : memref<1x4096xf32, #tpu.memory_space<vmem>> -> memref<4096xf32, #tpu.memory_space<vmem>>
    tpu.wait_dma2 semaphore(%arg9 : memref<!tpu.dma_semaphore, #tpu.memory_space<semaphore_mem>>) src(%dma_wait3A_18 : memref<4096xf32, #tpu.memory_space<vmem>>) dst(%dma_wait3A_15 : memref<4096xf32, #tpu.memory_space<hbm>>)
    %dma_wait3A_19 = arith.constant 0 : i32
    %dma_wait3A_20 = arith.constant 0 : i32
    %dma_wait3A_21 = arith.constant 0 : i32
    %dma_wait3A_22 = tpu.memref_slice %arg7[%dma_wait3A_19, %dma_wait3A_21] : memref<2x4096xf32, #tpu.memory_space<vmem>> -> memref<1x4096xf32, #tpu.memory_space<vmem>>
    %dma_wait3A_23 = tpu.memref_squeeze %dma_wait3A_22 : memref<1x4096xf32, #tpu.memory_space<vmem>> -> memref<4096xf32, #tpu.memory_space<vmem>>
    %dma_wait3A_24 = arith.constant 0 : i32
    %dma_wait3A_25 = tpu.memref_slice %arg4[%dma_wait3A_20, %dma_wait3A_24] : memref<416x16384xf32, #tpu.memory_space<hbm>> -> memref<1x4096xf32, #tpu.memory_space<hbm>>
    %dma_wait3A_26 = tpu.memref_squeeze %dma_wait3A_25 : memref<1x4096xf32, #tpu.memory_space<hbm>> -> memref<4096xf32, #tpu.memory_space<hbm>>
    %dma_wait3A_27 = arith.constant 0 : i32
    %dma_wait3A_28 = tpu.memref_slice %arg4[%dma_wait3A_20, %dma_wait3A_27] : memref<416x16384xf32, #tpu.memory_space<hbm>> -> memref<1x4096xf32, #tpu.memory_space<hbm>>
    %dma_wait3A_29 = tpu.memref_squeeze %dma_wait3A_28 : memref<1x4096xf32, #tpu.memory_space<hbm>> -> memref<4096xf32, #tpu.memory_space<hbm>>
    %dma_wait3A_30 = arith.constant 0 : i32
    %dma_wait3A_31 = tpu.memref_slice %arg7[%dma_wait3A_19, %dma_wait3A_30] : memref<2x4096xf32, #tpu.memory_space<vmem>> -> memref<1x4096xf32, #tpu.memory_space<vmem>>
    %dma_wait3A_32 = tpu.memref_squeeze %dma_wait3A_31 : memref<1x4096xf32, #tpu.memory_space<vmem>> -> memref<4096xf32, #tpu.memory_space<vmem>>
    tpu.wait_dma2 semaphore(%arg10 : memref<!tpu.dma_semaphore, #tpu.memory_space<semaphore_mem>>) src(%dma_wait3A_32 : memref<4096xf32, #tpu.memory_space<vmem>>) dst(%dma_wait3A_29 : memref<4096xf32, #tpu.memory_space<hbm>>)
    return
  }
}

module attributes {stable_mosaic.version = 14 : i64} {
  func.func @body(%arg0: i32, %arg1: memref<128x4096xf32, #tpu.memory_space<vmem>>, %arg2: memref<416x4096xf32, #tpu.memory_space<vmem>>, %arg3: memref<128x416xf32, #tpu.memory_space<vmem>>, %arg4: memref<128x1xf32, #tpu.memory_space<vmem>>, %arg5: memref<128x1xf32, #tpu.memory_space<vmem>>, %arg6: memref<1x1xf32, #tpu.memory_space<vmem>>, %arg7: memref<1x4096xf32, #tpu.memory_space<vmem>>) attributes {dimension_semantics = [#tpu.dimension_semantics<arbitrary>], iteration_bounds = array<i64: 4>, scalar_prefetch = 0 : i64, scratch_operands = 0 : i64, tpu.core_type = #tpu.core_type<tc>, window_params = [{transform_indices = @transform_0, window_bounds = array<i64: 128, 4096>}, {transform_indices = @transform_1, window_bounds = array<i64: 416, 4096>}, {pipeline_mode = #tpu.pipeline_mode<synchronous>, transform_indices = @transform_2, window_bounds = array<i64: 128, 416>}, {pipeline_mode = #tpu.pipeline_mode<synchronous>, transform_indices = @transform_3, window_bounds = array<i64: 128, 1>}, {pipeline_mode = #tpu.pipeline_mode<synchronous>, transform_indices = @transform_4, window_bounds = array<i64: 128, 1>}, {pipeline_mode = #tpu.pipeline_mode<synchronous>, transform_indices = @transform_5, window_bounds = array<i64: 1, 1>}, {transform_indices = @transform_6, window_bounds = array<i64: 1, 4096>}]} {
    %get3A = arith.constant 0 : index
    %get3A_0 = arith.constant 0 : index
    %get3A_1 = vector.load %arg1[%get3A, %get3A_0] : memref<128x4096xf32, #tpu.memory_space<vmem>>, vector<128x4096xf32>
    %get3A_2 = arith.constant 0 : index
    %get3A_3 = arith.constant 0 : index
    %get3A_4 = vector.load %arg3[%get3A_2, %get3A_3] : memref<128x416xf32, #tpu.memory_space<vmem>>, vector<128x416xf32>
    %get3A_5 = arith.constant 0 : index
    %get3A_6 = arith.constant 0 : index
    %get3A_7 = vector.load %arg2[%get3A_5, %get3A_6] : memref<416x4096xf32, #tpu.memory_space<vmem>>, vector<416x4096xf32>
    %dot_general3A = arith.constant dense<0.000000e+00> : vector<128x4096xf32>
    %dot_general3A_8 = tpu.matmul %get3A_4, %get3A_7, %dot_general3A {dimension_numbers = #tpu.dot_dimension_numbers<[1], [0], [0], [1], [0, 0, 1, 1], [], []>, transpose_lhs_hint = false} : vector<128x416xf32>, vector<416x4096xf32>, vector<128x4096xf32> -> vector<128x4096xf32>
    %add3A = arith.addf %get3A_1, %dot_general3A_8 : vector<128x4096xf32>
    %get3A_9 = arith.constant 0 : index
    %get3A_10 = arith.constant 0 : index
    %get3A_11 = vector.load %arg4[%get3A_9, %get3A_10] : memref<128x1xf32, #tpu.memory_space<vmem>>, vector<128x1xf32>
    %add3A_12 = vector.broadcast %get3A_11 : vector<128x1xf32> to vector<128x4096xf32>
    %add3A_13 = arith.addf %add3A, %add3A_12 : vector<128x4096xf32>
    %max3A = arith.constant 0.000000e+00 : f32
    %max3A_14 = vector.broadcast %max3A : f32 to vector<128x4096xf32>
    %max3A_15 = arith.maximumf %add3A_13, %max3A_14 : vector<128x4096xf32>
    %get3A_16 = arith.constant 0 : index
    %get3A_17 = arith.constant 0 : index
    %get3A_18 = vector.load %arg5[%get3A_16, %get3A_17] : memref<128x1xf32, #tpu.memory_space<vmem>>, vector<128x1xf32>
    %mul3A = vector.broadcast %get3A_18 : vector<128x1xf32> to vector<128x4096xf32>
    %mul3A_19 = arith.mulf %max3A_15, %mul3A : vector<128x4096xf32>
    %reduce_sum3A = arith.constant dense<0.000000e+00> : vector<4096xf32>
    %reduce_sum3A_20 = vector.multi_reduction <add>, %mul3A_19, %reduce_sum3A [0] : vector<128x4096xf32> to vector<4096xf32>
    %broadcast_in_dim3A = vector.shape_cast %reduce_sum3A_20 : vector<4096xf32> to vector<1x4096xf32>
    %get3A_21 = arith.constant 0 : index
    %get3A_22 = arith.constant 0 : index
    %get3A_23 = vector.load %arg6[%get3A_21, %get3A_22] : memref<1x1xf32, #tpu.memory_space<vmem>>, vector<1x1xf32>
    %add3A_24 = vector.broadcast %get3A_23 : vector<1x1xf32> to vector<1x4096xf32>
    %add3A_25 = arith.addf %broadcast_in_dim3A, %add3A_24 : vector<1x4096xf32>
    %logistic3A = arith.negf %add3A_25 : vector<1x4096xf32>
    %logistic3A_26 = math.exp %logistic3A : vector<1x4096xf32>
    %logistic3A_27 = arith.constant 1.000000e+00 : f32
    %logistic3A_28 = vector.broadcast %logistic3A_27 : f32 to vector<1x4096xf32>
    %logistic3A_29 = arith.addf %logistic3A_28, %logistic3A_26 : vector<1x4096xf32>
    %logistic3A_30 = arith.divf %logistic3A_28, %logistic3A_29 : vector<1x4096xf32>
    %swap3A = arith.constant 0 : index
    %swap3A_31 = arith.constant 0 : index
    %swap3A_32 = vector.load %arg7[%swap3A, %swap3A_31] : memref<1x4096xf32, #tpu.memory_space<vmem>>, vector<1x4096xf32>
    tpu.vector_store %arg7[%swap3A, %swap3A_31], %logistic3A_30 {strides = array<i32>} : memref<1x4096xf32, #tpu.memory_space<vmem>>, vector<1x4096xf32>,
    return
  }
  func.func @transform_0(%arg0: i32) -> (i32, i32) {
    %c0_i32 = arith.constant 0 : i32
    %c0_i32_0 = arith.constant 0 : i32
    return %c0_i32, %arg0 : i32, i32
  }
  func.func @transform_1(%arg0: i32) -> (i32, i32) {
    %c0_i32 = arith.constant 0 : i32
    %c0_i32_0 = arith.constant 0 : i32
    return %c0_i32, %arg0 : i32, i32
  }
  func.func @transform_2(%arg0: i32) -> (i32, i32) {
    %c0_i32 = arith.constant 0 : i32
    %c0_i32_0 = arith.constant 0 : i32
    %c0_i32_1 = arith.constant 0 : i32
    return %c0_i32, %c0_i32_0 : i32, i32
  }
  func.func @transform_3(%arg0: i32) -> (i32, i32) {
    %c0_i32 = arith.constant 0 : i32
    %c0_i32_0 = arith.constant 0 : i32
    %c0_i32_1 = arith.constant 0 : i32
    return %c0_i32, %c0_i32_0 : i32, i32
  }
  func.func @transform_4(%arg0: i32) -> (i32, i32) {
    %c0_i32 = arith.constant 0 : i32
    %c0_i32_0 = arith.constant 0 : i32
    %c0_i32_1 = arith.constant 0 : i32
    return %c0_i32, %c0_i32_0 : i32, i32
  }
  func.func @transform_5(%arg0: i32) -> (i32, i32) {
    %c0_i32 = arith.constant 0 : i32
    %c0_i32_0 = arith.constant 0 : i32
    %c0_i32_1 = arith.constant 0 : i32
    return %c0_i32, %c0_i32_0 : i32, i32
  }
  func.func @transform_6(%arg0: i32) -> (i32, i32) {
    %c0_i32 = arith.constant 0 : i32
    %c0_i32_0 = arith.constant 0 : i32
    return %c0_i32, %arg0 : i32, i32
  }
}

module attributes {stable_mosaic.version = 14 : i64} {
  func.func @body(%arg0: i32, %arg1: memref<128x416xf32, #tpu.memory_space<vmem>>, %arg2: memref<416x4096xf32, #tpu.memory_space<vmem>>, %arg3: memref<13x4096xf32, #tpu.memory_space<vmem>>, %arg4: memref<128x13xf32, #tpu.memory_space<vmem>>, %arg5: memref<128x4096xf32, #tpu.memory_space<vmem>>) attributes {dimension_semantics = [#tpu.dimension_semantics<arbitrary>], iteration_bounds = array<i64: 4>, scalar_prefetch = 0 : i64, scratch_operands = 0 : i64, tpu.core_type = #tpu.core_type<tc>, window_params = [{pipeline_mode = #tpu.pipeline_mode<synchronous>, transform_indices = @transform_0, window_bounds = array<i64: 128, 416>}, {transform_indices = @transform_1, window_bounds = array<i64: 416, 4096>}, {transform_indices = @transform_2, window_bounds = array<i64: 13, 4096>}, {pipeline_mode = #tpu.pipeline_mode<synchronous>, transform_indices = @transform_3, window_bounds = array<i64: 128, 13>}, {transform_indices = @transform_4, window_bounds = array<i64: 128, 4096>}]} {
    %get3A = arith.constant 0 : index
    %get3A_0 = arith.constant 0 : index
    %get3A_1 = vector.load %arg1[%get3A, %get3A_0] : memref<128x416xf32, #tpu.memory_space<vmem>>, vector<128x416xf32>
    %get3A_2 = arith.constant 0 : index
    %get3A_3 = arith.constant 0 : index
    %get3A_4 = vector.load %arg2[%get3A_2, %get3A_3] : memref<416x4096xf32, #tpu.memory_space<vmem>>, vector<416x4096xf32>
    %dot_general3A = arith.constant dense<0.000000e+00> : vector<128x4096xf32>
    %dot_general3A_5 = tpu.matmul %get3A_1, %get3A_4, %dot_general3A {dimension_numbers = #tpu.dot_dimension_numbers<[1], [0], [0], [1], [0, 0, 1, 1], [], []>, transpose_lhs_hint = false} : vector<128x416xf32>, vector<416x4096xf32>, vector<128x4096xf32> -> vector<128x4096xf32>
    %get3A_6 = arith.constant 0 : index
    %get3A_7 = arith.constant 0 : index
    %get3A_8 = vector.load %arg4[%get3A_6, %get3A_7] : memref<128x13xf32, #tpu.memory_space<vmem>>, vector<128x13xf32>
    %get3A_9 = arith.constant 0 : index
    %get3A_10 = arith.constant 0 : index
    %get3A_11 = vector.load %arg3[%get3A_9, %get3A_10] : memref<13x4096xf32, #tpu.memory_space<vmem>>, vector<13x4096xf32>
    %dot_general3A_12 = arith.constant dense<0.000000e+00> : vector<128x4096xf32>
    %dot_general3A_13 = tpu.matmul %get3A_8, %get3A_11, %dot_general3A_12 {dimension_numbers = #tpu.dot_dimension_numbers<[1], [0], [0], [1], [0, 0, 1, 1], [], []>, transpose_lhs_hint = false} : vector<128x13xf32>, vector<13x4096xf32>, vector<128x4096xf32> -> vector<128x4096xf32>
    %add3A = arith.addf %dot_general3A_5, %dot_general3A_13 : vector<128x4096xf32>
    %swap3A = arith.constant 0 : index
    %swap3A_14 = arith.constant 0 : index
    %swap3A_15 = vector.load %arg5[%swap3A, %swap3A_14] : memref<128x4096xf32, #tpu.memory_space<vmem>>, vector<128x4096xf32>
    tpu.vector_store %arg5[%swap3A, %swap3A_14], %add3A {strides = array<i32>} : memref<128x4096xf32, #tpu.memory_space<vmem>>, vector<128x4096xf32>,
    return
  }
  func.func @transform_0(%arg0: i32) -> (i32, i32) {
    %c0_i32 = arith.constant 0 : i32
    %c0_i32_0 = arith.constant 0 : i32
    %c0_i32_1 = arith.constant 0 : i32
    return %c0_i32, %c0_i32_0 : i32, i32
  }
  func.func @transform_1(%arg0: i32) -> (i32, i32) {
    %c0_i32 = arith.constant 0 : i32
    %c0_i32_0 = arith.constant 0 : i32
    return %c0_i32, %arg0 : i32, i32
  }
  func.func @transform_2(%arg0: i32) -> (i32, i32) {
    %c0_i32 = arith.constant 0 : i32
    %c0_i32_0 = arith.constant 0 : i32
    return %c0_i32, %arg0 : i32, i32
  }
  func.func @transform_3(%arg0: i32) -> (i32, i32) {
    %c0_i32 = arith.constant 0 : i32
    %c0_i32_0 = arith.constant 0 : i32
    %c0_i32_1 = arith.constant 0 : i32
    return %c0_i32, %c0_i32_0 : i32, i32
  }
  func.func @transform_4(%arg0: i32) -> (i32, i32) {
    %c0_i32 = arith.constant 0 : i32
    %c0_i32_0 = arith.constant 0 : i32
    return %c0_i32, %arg0 : i32, i32
  }
}

</mosaic_0001>

<sc_bundles>
// kernel: kernel.6.cloned.1.call-start
scs
__scs_entry_jumppad:
0x0: {  	(pc) =	sbr.rel $0x88, $3  }
0x1: {  	(tag) =	ssettag $0x0;
	lr =	simm.s32 $0x1  }
0x2: {  	[smem:$0x3F9A] =	sst lr;
	_ =	strace $0xD0000000  }
0x3: {  	_ = 	snop  }
0x4: {  	_ = 	snop  }
0x5: {  	_ = 	snop  }
0x6: {  	_ = 	snop  }
0x7: {  	_ = 	snop  }
__scs_overlays_trampoline_lowered:
0x8: {  	[smem:$0x3FA9] =	sst s0  }
0x9: {  	[smem:$0x3FAA] =	sst s1  }
0xa: {  	[smem:$0x3FAB] =	sst s2  }
0xb: {  	[smem:$0x3FAC] =	sst s3  }
0xc: {  	[smem:$0x3FAD] =	sst s4  }
0xd: {  	[smem:$0x3FAE] =	sst s5  }
0xe: {  	[smem:$0x3FAF] =	sst s6  }
0xf: {  	[smem:$0x3FB0] =	sst s7  }
0x10: {  	[smem:$0x3FB1] =	sst s8  }
0x11: {  	[smem:$0x3FB2] =	sst s9;
	s0 =	simm.s32 @!p0 $0x0  }
0x12: {  	s1 =	sld [smem:$0x3F98];
	s0 =	simm.s32 @p0 $0x1  }
0x13: {  	[smem:$0x3FB3] =	sst s0;
	s0 =	simm.s32 @!p1 $0x0  }
0x14: {  	s2 =	sld [smem:$0x3F97];
	s0 =	simm.s32 @p1 $0x1  }
0x15: {  	[smem:$0x3FB4] =	sst s0;
	s0 =	simm.s32 @!p2 $0x0  }
0x16: {  	s3 =	sld [smem:$0x3FDB];
	s0 =	simm.s32 @p2 $0x1  }
0x17: {  	s4 =	simm.s32 $0x1BF5;
	[smem:$0x3FB6] =	sst s0  }
0x18: {  	s0 =	sld [smem:$0x3F99];
	_ =	swait.ge [sflag:s4], $0x0  }
0x19: {  	s7 =	sld [smem:$0x3F9A]  }
0x1a: {  	s8 =	sadd.s32 $0xFFFFE003, lr  }
0x1b: {  	s9 =	sadd.s32 $0xFFFFFEF7, lr;
	s5 =	simm.s32 $0xFFFFFFFF;
	p2 =	slt.u32 s8, $0xFFFFF086  }
0x1c: {  	p1 =	slt.u32 s9, $0xF7A;
	s5 =	simm.s32 @!p2 $0x0  }
0x1d: {  	s5 =	simm.s32 @p1 $0x1;
	p0 =	seq.s32 s7, s2  }
0x1e: {  	s7 =	smul.u32 @!p0 $0xF7A, s2;
	p2 =	seq.s32 @!p0 s5, $0x0  }
0x1f: {  	s9 =	smul.u32 $0xF7A, s1;
	s8 =	simm.s32 @!p0 $0x1BF5;
	p2 =	por !p2, p0  }
0x20: {  	[sflag:s8] =	ssyncset.s32 @!p0 $0xFFFFF086;
	s6 =	sadd.s32 @!p0 s3, s7;
	s7 =	simm.s32 @!p0 $0x108  }
0x21: {  	s3 =	sadd.s32 s3, s9;
	s6 =	sadd.s32 @!p0 $0x88, s6;
	s7 =	simm.s32 @p2 $0x1082  }
0x22: {  	[simem:s7], [sflag:s8] =	dma.local @!p0 [hbm:s6], $0xF7A  }
0x23: {  	s9 =	sor.u32 $0xD0000000, s2;
	s6 =	simm.s32 $0x108;
	_ =	swait.ge @!p0 [sflag:s8], $0x0  }
0x24: {  	s3 =	sadd.s32 $0x88, s3;
	s6 =	simm.s32 @!p1 $0x1082;
	[sflag:s4] =	ssyncset.s32 $0xFFFFF086  }
0x25: {  	[simem:s6], [sflag:s4] =	dma.local [hbm:s3], $0xF7A  }
0x26: {  	[smem:$0x3F9A] =	sst s1;
	(tag) =	ssettag s2;
	_ =	strace s9  }
0x27: {  	s1 =	sld [smem:$0x3FAA]  }
0x28: {  	s2 =	sld [smem:$0x3FAB]  }
0x29: {  	s4 =	sld [smem:$0x3FAD]  }
0x2a: {  	p0 =	seq.s32 s5, $0x0;
	s5 =	sld [smem:$0x3FAE]  }
0x2b: {  	s6 =	sld [smem:$0x3FAF]  }
0x2c: {  	s7 =	sld [smem:$0x3FB0]  }
0x2d: {  	s3 =	simm.s32 $0x108;
	s8 =	sld [smem:$0x3FB1]  }
0x2e: {  	s3 =	simm.s32 @!p0 $0x1082;
	s9 =	sld [smem:$0x3FB2]  }
0x2f: {  	lr =	sadd.s32 s0, s3;
	s0 =	sld [smem:$0x3FA9]  }
0x30: {  	s3 =	sld [smem:$0x3FAC]  }
0x31: {  	[smem:$0x3FB5] =	sst s10  }
0x32: {  	s10 =	sld [smem:$0x3FB3];
	_ =	sdelay $0x3  }
0x33: {  	p0 =	seq.s32 s10, $0x1;
	s10 =	sld [smem:$0x3FB5];
	_ =	sdelay $0x3  }
0x34: {  	[smem:$0x3FB5] =	sst s10  }
0x35: {  	s10 =	sld [smem:$0x3FB4];
	_ =	sdelay $0x3  }
0x36: {  	p1 =	seq.s32 s10, $0x1;
	s10 =	sld [smem:$0x3FB5];
	_ =	sdelay $0x3  }
0x37: {  	[smem:$0x3FB5] =	sst s10  }
0x38: {  	s10 =	sld [smem:$0x3FB6]  }
0x39: {  	_ = 	snop;
	(pc) =	sbr.ind lr, $3  }
0x3a: {  	_ = 	snop  }
0x3b: {  	_ = 	snop  }
0x3c: {  	p2 =	seq.s32 s10, $0x1;
	s10 =	sld [smem:$0x3FB5]  }
0x3d: {  	_ =	shalt  }
0x3e: {  	_ =	shalt  }
0x3f: {  	_ =	shalt  }
0x40: {  	_ =	shalt  }
0x41: {  	_ =	shalt  }
0x42: {  	_ =	shalt  }
0x43: {  	_ =	shalt  }
0x44: {  	_ =	shalt  }
0x45: {  	_ =	shalt  }
0x46: {  	_ =	shalt  }
0x47: {  	_ =	shalt  }
0x48: {  	_ =	shalt  }
0x49: {  	_ =	shalt  }
0x4a: {  	_ =	shalt  }
0x4b: {  	_ =	shalt  }
0x4c: {  	_ =	shalt  }
0x4d: {  	_ =	shalt  }
0x4e: {  	_ =	shalt  }
0x4f: {  	_ =	shalt  }
0x50: {  	_ =	shalt  }
0x51: {  	_ =	shalt  }
0x52: {  	_ =	shalt  }
0x53: {  	_ =	shalt  }
0x54: {  	_ =	shalt  }
0x55: {  	_ =	shalt  }
0x56: {  	_ =	shalt  }
0x57: {  	_ =	shalt  }
0x58: {  	_ =	shalt  }
0x59: {  	_ =	shalt  }
0x5a: {  	_ =	shalt  }
0x5b: {  	_ =	shalt  }
0x5c: {  	_ =	shalt  }
0x5d: {  	_ =	shalt  }
0x5e: {  	_ =	shalt  }
0x5f: {  	_ =	shalt  }
0x60: {  	_ =	shalt  }
0x61: {  	_ =	shalt  }
0x62: {  	_ =	shalt  }
0x63: {  	_ =	shalt  }
0x64: {  	_ =	shalt  }
0x65: {  	_ =	shalt  }
0x66: {  	_ =	shalt  }
0x67: {  	_ =	shalt  }
0x68: {  	_ =	shalt  }
0x69: {  	_ =	shalt  }
0x6a: {  	_ =	shalt  }
0x6b: {  	_ =	shalt  }
0x6c: {  	_ =	shalt  }
0x6d: {  	_ =	shalt  }
0x6e: {  	_ =	shalt  }
0x6f: {  	_ =	shalt  }
0x70: {  	_ =	shalt  }
0x71: {  	_ =	shalt  }
0x72: {  	_ =	shalt  }
0x73: {  	_ =	shalt  }
0x74: {  	_ =	shalt  }
0x75: {  	_ =	shalt  }
0x76: {  	_ =	shalt  }
0x77: {  	_ =	shalt  }
0x78: {  	_ =	shalt  }
0x79: {  	_ =	shalt  }
0x7a: {  	_ =	shalt  }
0x7b: {  	_ =	shalt  }
0x7c: {  	_ =	shalt  }
0x7d: {  	_ =	shalt  }
0x7e: {  	_ =	shalt  }
0x7f: {  	_ =	shalt  }
0x80: {  	_ =	shalt  }
0x81: {  	_ =	shalt  }
0x82: {  	_ =	shalt  }
0x83: {  	_ =	shalt  }
0x84: {  	_ =	shalt  }
0x85: {  	_ =	shalt  }
0x86: {  	_ =	shalt  }
0x87: {  	_ =	shalt  }
.Lfunc_end0:
.L_simem_size_0:
called_computation_lowered:
.L_overlay_start_0:
0x88: {  	s2 =	sld [smem:$0x3FD9]  }
0x89: {  	s3 =	sld [smem:$0x3FFE];
	_ =	sdelay $0x1  }
0x8a: {  	s1 =	srdreg.scid  }
0x8b: {  	s0 =	sand.u32 $0x1, s1  }
0x8c: {  	s17 =	sshll.u32 s0, $0xA;
	s2 =	sadd.s32 s3, s2  }
0x8d: {  	s2 =	sadd.s32 s2, s17  }
0x8e: {  	[smem:$0x3FC1] =	sst s2  }
0x8f: {  	_ = 	snop  }
0x90: {  	s2 =	sld [smem:$0x3FC9]  }
0x91: {  	s18 =	sld [smem:$0x3FC7];
	(tm) =	ssettm $0x1  }
0x92: {  	s4 =	sld [smem:$0x3FFB];
	_ =	sdelay $0x3  }
0x93: {  	_ =	strace s4  }
0x94: {  	s4 =	sld [smem:$0x3FFC];
	_ =	sdelay $0x3  }
0x95: {  	_ =	strace s4  }
0x96: {  	s4 =	sld [smem:$0x3FFD];
	_ =	sdelay $0x3  }
0x97: {  	_ =	strace s4  }
0x98: {  	_ =	strace $0x8FFFFFFF  }
0x99: {  	s19 =	sld [smem:$0x3FDB];
	_ =	sdelay $0x1  }
0x9a: {  	s5 =	simm.s32 $_scs_section_size  }
0x9b: {  	s6 =	simm.s32 $_size__tile_overlayer_lowered;
	s7 =	simm.s32 $_tile_overlayer_lowered  }
0x9c: {  	s22 =	simm.s32 $0x1BFF;
	s21 =	sshll.u32 s7, $0x1;
	s4 =	sadd.s32 s5, s19  }
0x9d: {  	s8 =	simm.s32 $0x0;
	s20 =	sshll.u32 s6, $0x1;
	s6 =	sadd.s32 s21, s4  }
0x9e: {  	[timem:s8], [sflag:s22] =	dma.local [hbm:s6], s20  }
0x9f: {  	_ =	swait.ge [sflag:s22], s20  }
0xa0: {  	s5 =	ssub.s32 $0x0, s20;
	[sflag:s22] =	ssyncset.done $0x0  }
0xa1: {  	[sflag:s22] =	ssyncadd.s32 s5;
	_ =	sdelay $0x1  }
0xa2: {  	s23 =	simm.s32 $0x1B8B  }
0xa3: {  	_ =	swait.ge [sflag:s23], $0x1  }
0xa4: {  	[sflag:s23] =	ssyncset.done $0x0  }
0xa5: {  	s25 =	simm.s32 $0x1B8E;
	s24 =	sld [smem:$0x3FFE];
	[sflag:s23] =	ssyncadd.s32 $0xFFFFFFFF  }
0xa6: {  	s26 =	simm.s32 $execute0_lowered;
	[smem:$0x3FD2] =	sst s25  }
0xa7: {  	s6 =	sshll.u32 s26, $0x1;
	_ =	strace $0x80000046;
	[dreg:$0x1] =	wrdreg $0xFFFFFFFF  }
0xa8: {  	s28 =	simm.s32 $_size_execute0_lowered;
	s4 =	sadd.s32 s4, s6;
	[dreg:$0x0] =	wrdreg $0x0  }
0xa9: {  	s6 =	sshll.u32 s28, $0x1;
	[dreg:$0x2] =	wrdreg s4  }
0xaa: {  	[dreg:$0x3] =	wrdreg s6  }
0xab: {  	[dreg:$0x4] =	wrdreg $0xC0  }
0xac: {  	_ =	task [dreg:s8], $0x5FFFF  }
0xad: {  	[dreg:$0x1] =	wrdreg $0xFFFFFFFF  }
0xae: {  	[dreg:$0x0] =	wrdreg $0x60  }
0xaf: {  	[dreg:$0x2] =	wrdreg s18  }
0xb0: {  	[dreg:$0x3] =	wrdreg s2  }
0xb1: {  	[dreg:$0x4] =	wrdreg s24  }
0xb2: {  	[dreg:$0x5] =	wrdreg $0x9  }
0xb3: {  	_ =	task.clear_ibuf [dreg:s8], $0x6FFFF;
	_ =	strace $0x90000046  }
0xb4: {  	s29 =	simm.s32 $0x9;
	_ =	strace $0x80000048  }
0xb5: {  	_ =	swait.ge [sflag:s29], $0x1  }
0xb6: {  	[sflag:s29] =	ssyncadd.s32 $0xFFFFFFFF  }
0xb7: {  	_ =	strace $0x90000048  }
0xb8: {  	_ =	sfence  }
0xb9: {  	s30 =	sld [smem:$0x0];
	_ =	sdelay $0x2  }
0xba: {  	s31 =	sshll.u32 s1, $0xD;
	s1 =	sshrl.u32 s1, $0x2  }
0xbb: {  	s3 =	sand.u32 $0x4000, s31;
	s1 =	sadd.s32 s1, s30  }
0xbc: {  	s0 =	sor.u32 s3, s0;
	s1 =	sshll.u32 s1, $0x11  }
0xbd: {  	s0 =	sor.u32 s1, s0  }
0xbe: {  	s0 =	sadd.s32 $0x8F2B, s0  }
0xbf: {  	[sflag:s0] =	ssyncadd.remote.s32 $0x1  }
0xc0: {  	_ =	sfence.sel $0xFFFF  }
0xc1: {  	[dreg:$0x0] =	wrdreg $0xFFFFFFFF;
	(pc) =	sbr.abs _section_cstart, $3  }
0xc2: {  	[dreg:$0x1] =	wrdreg $0xFFFFFFFF  }
0xc3: {  	_ =	task.clear_ibuf [dreg:s8], $0x2FFFF;
	_ =	strace $0x9FFFFFFF  }
0xc4: {  	(tm) =	ssettm $0x7FFFFFFF  }
0xc5: {  	_ =	shalt  }
tec
execute0_lowered:
.L_overlay_start_1:
0x0: {  	(tag) =	ssettag $0x1  }
0x1: {  	s1 =	rddreg [dreg:$0x0]  }
0x2: {  	s2 =	rddreg [dreg:$0x1]  }
0x3: {  	s9 =	rddreg [dreg:$0x2]  }
0x4: {  	s0 =	rddreg [dreg:$0x3];
	s4 =	simm.s32 $0x0  }
0x5: {  	s3 =	srdreg.scid;
	s11 =	simm.s32 $0x80;
	s12 =	simm.s32 $0x400  }
0x6: {  	s13 =	simm.s32 $0x1;
	s14 =	simm.s32 $0x18700;
	s15 =	simm.s32 $0x4  }
0x7: {  	s16 =	simm.s32 $0x2;
	s17 =	simm.s32 $0x3;
	s18 =	simm.s32 $0x0  }
0x8: {  	[smem:$0x7FF] =	sst s4;
	s5 =	sand.u32 $0x1, s3;
	s3 =	stileid.u32  }
0x9: {  	s6 =	ssub.s32 $0x2, s5;
	s5 =	sshll.u32 s5, $0x4;
	_ =	strace $0x80000047  }
0xa: {  	s7 =	sshrl.u32 s6, $0x1;
	s8 =	sor.u32 s3, s5;
	s5 =	sadd.s32 $0x1800, s9  }
0xb: {  	s10 =	ssub.s32 s6, s7;
	s6 =	smul.u32 $0xD, s8;
	s7 =	sadd.s32 $0x2800, s9  }
0xc: {  	s8 =	sadd.s32 $0x3800, s9;
	s9 =	sadd.s32 $0x4800, s9;
	s10 =	smax.u32 s10, $0x1  }
.LBB2_1:
0xd: {  	s19 =	simm.s32 $0x0  }
.LBB2_2:
0xe: {  	s20 =	sadd.s32 s6, s19  }
0xf: {  	s22 =	sshrl.u32 s20, $0x5;
	s21 =	sshrl.u32 s20, $0x3  }
0x10: {  	s23 =	smul.u32 $0x30E000, s22;
	s21 =	sand.u32 $0x3, s21  }
0x11: {  	s21 =	smul.u32 $0xC3800, s21  }
0x12: {  	s24 =	sshll.u32 s20, $0x7  }
0x13: {  	s29 =	sadd.s32 $0xFFFFFFFF, s20;
	s23 =	sadd.s32 s23, s21;
	s21 =	sand.u32 $0x380, s24  }
0x14: {  	p2 =	slt.u32 s20, $0x2;
	s25 =	sand.u32 $0x1F, s29;
	s23 =	sor.u32 s21, s23  }
0x15: {  	s30 =	sshra.s32 s29, $0x1F;
	p1 =	sne.s32 s25, $0x0;
	s23 =	sshrl.u32 s23, $0x3  }
0x16: {  	s25 =	sshrl.u32 s30, $0x1B;
	p1 =	por !p2, !p1;
	s23 =	sadd.s32 s1, s23  }
0x17: {  	[tilespmem:s4], [sflag:$0x1] =	stream.strided.gather [hbm4b:s23+s11], $0x18700, s12, s11, $0x38;
	[tilespmem:$0x1E700] =	vst v63  }
0x18: {  	p1 =	por !p1, !p1;
	s23 =	sadd.s32 s25, s29;
	s25 =	simm.s32 $0x1  }
0x19: {  	p0 =	seq.s32 s19, $0x0;
	s23 =	sshra.s32 s23, $0x5;
	s25 =	simm.s32 @!p1 $0x0  }
0x1a: {  	s24 =	simm.s32 @!p0 $0x2;
	s23 =	ssub.s32 s23, s25  }
0x1b: {  	_ =	swait.ge @!p0 [sflag:s24], $0x1000;
	p1 =	seq.s32 @!p0 s22, s23  }
0x1c: {  	[sflag:s24] =	ssyncset.done @!p0 $0x0;
	p1 =	por p0, !p1  }
0x1d: {  	[sflag:s24] =	ssyncadd.s32 @!p0 $0xFFFFF000;
	s24 =	simm.s32 @!p0 $0x3;
	s23 =	sshll.u32 @p1 s22, $0x4  }
0x1e: {  	_ =	swait.ge @!p0 [sflag:s24], $0x1000;
	s22 =	sshll.u32 @p1 s22, $0xB;
	s23 =	sand.u32 @p1 $0x70, s23  }
0x1f: {  	[sflag:s24] =	ssyncset.done @!p0 $0x0;
	s22 =	sand.u32 @p1 $0xFFFC000, s22;
	s23 =	sadd.s32 @p1 s2, s23  }
0x20: {  	[sflag:s24] =	ssyncadd.s32 @!p0 $0xFFFFF000;
	s22 =	sadd.s32 @p1 s22, s23  }
0x21: {  	[tilespmem:s14], [sflag:$0x4] =	stream.strided.gather @p1 [hbm4b:s22+s11], $0x4000, s12, s11, $0x38;
	[tilespmem:$0x1E700] =	vst v63  }
0x22: {  	_ =	swait.ge @p1 [sflag:s15], $0x4000  }
0x23: {  	[sflag:s15] =	ssyncset.done @p1 $0x0  }
0x24: {  	[sflag:s15] =	ssyncadd.s32 @p1 $0xFFFFC000  }
0x25: {  	_ =	swait.ge [sflag:s13], $0x18700  }
0x26: {  	[sflag:s13] =	ssyncset.done $0x0  }
0x27: {  	s31 =	simm.s32 $0x18780;
	[sflag:s13] =	ssyncadd.s32 $0xFFFE7900  }
0x28: {  	v0 =	vld [tilespmem:s31+$0x70]  }
0x29: {  	v1 =	vld [tilespmem:s31+$0xFFFFFF90]  }
0x2a: {  	v2 =	vld [tilespmem:s31+$0xFFFFFFA0]  }
0x2b: {  	v3 =	vld [tilespmem:s31+$0xFFFFFFB0]  }
0x2c: {  	v4 =	vld [tilespmem:s31+$0xFFFFFFC0]  }
0x2d: {  	v5 =	vld [tilespmem:s31+$0xFFFFFFD0]  }
0x2e: {  	v6 =	vld [tilespmem:s31+$0xFFFFFFE0]  }
0x2f: {  	v7 =	vld [tilespmem:s31+$0xFFFFFFF0]  }
0x30: {  	v8 =	vld [tilespmem:s31+$0x0]  }
0x31: {  	v9 =	vld [tilespmem:s31+$0x10]  }
0x32: {  	v10 =	vld [tilespmem:s31+$0x20]  }
0x33: {  	v11 =	vld [tilespmem:s31+$0x30]  }
0x34: {  	v12 =	vld [tilespmem:s31+$0x40]  }
0x35: {  	v13 =	vld [tilespmem:s31+$0x50]  }
0x36: {  	v14 =	vld [tilespmem:s31+$0x60]  }
0x37: {  	v15 =	vld [tilespmem:s31+$0xFFFFFF80]  }
0x38: {  	v0 =	vld.idx.msk [tilespmem:v0+s4+$0x0], $0xffff  }
0x39: {  	v1 =	vld.idx.msk [tilespmem:v1+s4+$0x0], $0xffff  }
0x3a: {  	v2 =	vld.idx.msk [tilespmem:v2+s4+$0x0], $0xffff  }
0x3b: {  	v3 =	vld.idx.msk [tilespmem:v3+s4+$0x0], $0xffff  }
0x3c: {  	v4 =	vld.idx.msk [tilespmem:v4+s4+$0x0], $0xffff  }
0x3d: {  	s22 =	simm.s32 $0x1C800;
	v5 =	vld.idx.msk [tilespmem:v5+s4+$0x0], $0xffff  }
0x3e: {  	v6 =	vld.idx.msk [tilespmem:v6+s4+$0x0], $0xffff;
	[tilespmem:s22+$0x70] =	vst v0  }
0x3f: {  	v7 =	vld.idx.msk [tilespmem:v7+s4+$0x0], $0xffff;
	[tilespmem:s22+$0xFFFFFF10] =	vst v1  }
0x40: {  	v15 =	vld.idx.msk [tilespmem:v15+s4+$0x0], $0xffff;
	[tilespmem:s22+$0xFFFFFF20] =	vst v2  }
0x41: {  	v8 =	vld.idx.msk [tilespmem:v8+s4+$0x0], $0xffff;
	[tilespmem:s22+$0xFFFFFF30] =	vst v3  }
0x42: {  	[tilespmem:s22+$0xFFFFFF40] =	vst v4;
	v0 =	vld.idx.msk [tilespmem:v9+s4+$0x0], $0xffff  }
0x43: {  	[tilespmem:s22+$0xFFFFFF50] =	vst v5;
	v1 =	vld.idx.msk [tilespmem:v10+s4+$0x0], $0xffff  }
0x44: {  	[tilespmem:s22+$0xFFFFFF60] =	vst v6;
	v2 =	vld.idx.msk [tilespmem:v11+s4+$0x0], $0xffff  }
0x45: {  	[tilespmem:s22+$0xFFFFFF70] =	vst v7;
	v3 =	vld.idx.msk [tilespmem:v12+s4+$0x0], $0xffff  }
0x46: {  	[tilespmem:s22+$0xFFFFFF00] =	vst v15;
	v4 =	vld.idx.msk [tilespmem:v13+s4+$0x0], $0xffff  }
0x47: {  	s24 =	simm.s32 $0x18880;
	s23 =	simm.s32 $0x0;
	[tilespmem:s22+$0x0] =	vst v8;
	v5 =	vld.idx.msk [tilespmem:v14+s4+$0x0], $0xffff  }
.LBB2_3:
0x48: {  	v6 =	vld [tilespmem:s24+$0x70];
	s23 =	sadd.s32 $0x100, s23;
	[tilespmem:s22+$0x10] =	vst v0  }
0x49: {  	v0 =	vld [tilespmem:s24+$0xFFFFFF90];
	p0 =	slt.u32 s23, $0xF00;
	[tilespmem:s22+$0x20] =	vst v1  }
0x4a: {  	v1 =	vld [tilespmem:s24+$0xFFFFFFA0];
	[tilespmem:s22+$0x30] =	vst v2  }
0x4b: {  	v2 =	vld [tilespmem:s24+$0xFFFFFFB0];
	[tilespmem:s22+$0x40] =	vst v3  }
0x4c: {  	v3 =	vld [tilespmem:s24+$0xFFFFFFC0];
	[tilespmem:s22+$0x50] =	vst v4  }
0x4d: {  	v4 =	vld [tilespmem:s24+$0xFFFFFFD0];
	[tilespmem:s22+$0x60] =	vst v5  }
0x4e: {  	v5 =	vld [tilespmem:s24+$0xFFFFFFE0]  }
0x4f: {  	v7 =	vld [tilespmem:s24+$0xFFFFFFF0]  }
0x50: {  	v6 =	vld.idx.msk [tilespmem:v6+s4+$0x0], $0xffff  }
0x51: {  	v8 =	vld [tilespmem:s24+$0x0]  }
0x52: {  	v9 =	vld [tilespmem:s24+$0x10]  }
0x53: {  	v10 =	vld [tilespmem:s24+$0x20]  }
0x54: {  	v11 =	vld [tilespmem:s24+$0x30]  }
0x55: {  	s22 =	sadd.s32 $0x200, s22;
	v12 =	vld [tilespmem:s24+$0x40]  }
0x56: {  	v13 =	vld [tilespmem:s24+$0x50];
	[tilespmem:s22+$0x70] =	vst v6  }
0x57: {  	v6 =	vld [tilespmem:s24+$0x60]  }
0x58: {  	v14 =	vld [tilespmem:s24+$0xFFFFFF80]  }
0x59: {  	v0 =	vld.idx.msk [tilespmem:v0+s4+$0x0], $0xffff  }
0x5a: {  	v1 =	vld.idx.msk [tilespmem:v1+s4+$0x0], $0xffff  }
0x5b: {  	v2 =	vld.idx.msk [tilespmem:v2+s4+$0x0], $0xffff  }
0x5c: {  	v3 =	vld.idx.msk [tilespmem:v3+s4+$0x0], $0xffff  }
0x5d: {  	v4 =	vld.idx.msk [tilespmem:v4+s4+$0x0], $0xffff  }
0x5e: {  	v5 =	vld.idx.msk [tilespmem:v5+s4+$0x0], $0xffff  }
0x5f: {  	[tilespmem:s22+$0xFFFFFF10] =	vst v0;
	v7 =	vld.idx.msk [tilespmem:v7+s4+$0x0], $0xffff  }
0x60: {  	v14 =	vld.idx.msk [tilespmem:v14+s4+$0x0], $0xffff;
	[tilespmem:s22+$0xFFFFFF20] =	vst v1  }
0x61: {  	[tilespmem:s22+$0xFFFFFF30] =	vst v2;
	v8 =	vld.idx.msk [tilespmem:v8+s4+$0x0], $0xffff  }
0x62: {  	[tilespmem:s22+$0xFFFFFF40] =	vst v3;
	v0 =	vld.idx.msk [tilespmem:v9+s4+$0x0], $0xffff  }
.Ltmp0:
0x63: {  	[tilespmem:s22+$0xFFFFFF50] =	vst v4;
	v1 =	vld.idx.msk [tilespmem:v10+s4+$0x0], $0xffff;
	(pc) =	sbr.rel @p0 .LBB2_3-.Ltmp0, $4  }
0x64: {  	[tilespmem:s22+$0xFFFFFF60] =	vst v5;
	v2 =	vld.idx.msk [tilespmem:v11+s4+$0x0], $0xffff  }
0x65: {  	[tilespmem:s22+$0xFFFFFF70] =	vst v7;
	v3 =	vld.idx.msk [tilespmem:v12+s4+$0x0], $0xffff  }
0x66: {  	[tilespmem:s22+$0xFFFFFF00] =	vst v14;
	v4 =	vld.idx.msk [tilespmem:v13+s4+$0x0], $0xffff  }
0x67: {  	s24 =	sadd.s32 $0x100, s24;
	[tilespmem:s22+$0x0] =	vst v8;
	v5 =	vld.idx.msk [tilespmem:v6+s4+$0x0], $0xffff  }
0x68: {  	[tilespmem:s22+$0x10] =	vst v0  }
0x69: {  	[tilespmem:s22+$0x20] =	vst v1;
	s20 =	sshll.u32 s20, $0xE  }
0x6a: {  	[tilespmem:s22+$0x30] =	vst v2;
	s20 =	sand.u32 $0x7FFE0000, s20  }
0x6b: {  	[tilespmem:s22+$0x40] =	vst v3;
	s20 =	sor.u32 s21, s20  }
0x6c: {  	[tilespmem:s22+$0x50] =	vst v4;
	s20 =	sshrl.u32 s20, $0x3  }
0x6d: {  	s23 =	simm.s32 $0x1C700;
	[tilespmem:s22+$0x60] =	vst v5;
	s21 =	sadd.s32 s5, s20;
	s22 =	simm.s32 $0x0  }
.LBB2_5:
0x6e: {  	p0 =	sne.s32 s22, $0xF80  }
.Ltmp1:
0x6f: {  	_ = 	snop;
	(pc) =	sbr.rel @p0 .LBB2_5-.Ltmp1, $4  }
0x70: {  	_ = 	snop  }
0x71: {  	s24 =	sadd.s32 s22, s21  }
0x72: {  	[hbm4b:s24+s4] =	stream.linear.scatter [tilespmem:s23], [sflag:$0x2], $0x80, $0x38;
	[tilespmem:$0x1E700] =	vst v63  }
0x73: {  	s22 =	sadd.s32 $0x80, s22;
	s23 =	sadd.s32 $0x100, s23  }
0x74: {  	s21 =	simm.s32 $0x197F0  }
0x75: {  	v0 =	vld [tilespmem:s21+$0x0]  }
0x76: {  	v1 =	vld [tilespmem:s21+$0xFFFFFF20]  }
0x77: {  	v2 =	vld [tilespmem:s21+$0xFFFFFF30]  }
0x78: {  	v3 =	vld [tilespmem:s21+$0xFFFFFF40]  }
0x79: {  	v4 =	vld [tilespmem:s21+$0xFFFFFF50]  }
0x7a: {  	v5 =	vld [tilespmem:s21+$0xFFFFFF60]  }
0x7b: {  	v6 =	vld [tilespmem:s21+$0xFFFFFF70]  }
0x7c: {  	v7 =	vld [tilespmem:s21+$0xFFFFFF80]  }
0x7d: {  	v8 =	vld [tilespmem:s21+$0xFFFFFF90]  }
0x7e: {  	v9 =	vld [tilespmem:s21+$0xFFFFFFA0]  }
0x7f: {  	v10 =	vld [tilespmem:s21+$0xFFFFFFB0]  }
0x80: {  	v11 =	vld [tilespmem:s21+$0xFFFFFFC0]  }
0x81: {  	v12 =	vld [tilespmem:s21+$0xFFFFFFD0]  }
0x82: {  	v13 =	vld [tilespmem:s21+$0xFFFFFFE0]  }
0x83: {  	v14 =	vld [tilespmem:s21+$0xFFFFFFF0]  }
0x84: {  	v15 =	vld [tilespmem:s21+$0xFFFFFF10]  }
0x85: {  	v0 =	vld.idx.msk [tilespmem:v0+s4+$0x0], $0xffff  }
0x86: {  	v1 =	vld.idx.msk [tilespmem:v1+s4+$0x0], $0xffff  }
0x87: {  	v2 =	vld.idx.msk [tilespmem:v2+s4+$0x0], $0xffff  }
0x88: {  	v3 =	vld.idx.msk [tilespmem:v3+s4+$0x0], $0xffff  }
0x89: {  	v4 =	vld.idx.msk [tilespmem:v4+s4+$0x0], $0xffff  }
0x8a: {  	s21 =	simm.s32 $0x1C880;
	v5 =	vld.idx.msk [tilespmem:v5+s4+$0x0], $0xffff  }
0x8b: {  	v6 =	vld.idx.msk [tilespmem:v6+s4+$0x0], $0xffff;
	[tilespmem:s21+$0x70] =	vst v0  }
0x8c: {  	v7 =	vld.idx.msk [tilespmem:v7+s4+$0x0], $0xffff;
	[tilespmem:s21+$0xFFFFFF10] =	vst v1  }
0x8d: {  	v15 =	vld.idx.msk [tilespmem:v15+s4+$0x0], $0xffff;
	[tilespmem:s21+$0xFFFFFF20] =	vst v2  }
0x8e: {  	v8 =	vld.idx.msk [tilespmem:v8+s4+$0x0], $0xffff;
	[tilespmem:s21+$0xFFFFFF30] =	vst v3  }
0x8f: {  	[tilespmem:s21+$0xFFFFFF40] =	vst v4;
	v0 =	vld.idx.msk [tilespmem:v9+s4+$0x0], $0xffff  }
0x90: {  	[tilespmem:s21+$0xFFFFFF50] =	vst v5;
	v1 =	vld.idx.msk [tilespmem:v10+s4+$0x0], $0xffff  }
0x91: {  	[tilespmem:s21+$0xFFFFFF60] =	vst v6;
	v2 =	vld.idx.msk [tilespmem:v11+s4+$0x0], $0xffff  }
0x92: {  	[tilespmem:s21+$0xFFFFFF70] =	vst v7;
	v3 =	vld.idx.msk [tilespmem:v12+s4+$0x0], $0xffff  }
0x93: {  	[tilespmem:s21+$0xFFFFFF00] =	vst v15;
	v4 =	vld.idx.msk [tilespmem:v13+s4+$0x0], $0xffff  }
0x94: {  	s22 =	simm.s32 $0x0;
	s23 =	simm.s32 $0x198F0;
	[tilespmem:s21+$0x0] =	vst v8;
	v5 =	vld.idx.msk [tilespmem:v14+s4+$0x0], $0xffff  }
.LBB2_7:
0x95: {  	v6 =	vld [tilespmem:s23+$0x0];
	s22 =	sadd.s32 $0x100, s22;
	[tilespmem:s21+$0x10] =	vst v0  }
0x96: {  	v0 =	vld [tilespmem:s23+$0xFFFFFF20];
	p0 =	slt.u32 s22, $0xF00;
	[tilespmem:s21+$0x20] =	vst v1  }
0x97: {  	v1 =	vld [tilespmem:s23+$0xFFFFFF30];
	[tilespmem:s21+$0x30] =	vst v2  }
0x98: {  	v2 =	vld [tilespmem:s23+$0xFFFFFF40];
	[tilespmem:s21+$0x40] =	vst v3  }
0x99: {  	v3 =	vld [tilespmem:s23+$0xFFFFFF50];
	[tilespmem:s21+$0x50] =	vst v4  }
0x9a: {  	v4 =	vld [tilespmem:s23+$0xFFFFFF60];
	[tilespmem:s21+$0x60] =	vst v5  }
0x9b: {  	v5 =	vld [tilespmem:s23+$0xFFFFFF70]  }
0x9c: {  	v7 =	vld [tilespmem:s23+$0xFFFFFF80]  }
0x9d: {  	v6 =	vld.idx.msk [tilespmem:v6+s4+$0x0], $0xffff  }
0x9e: {  	v8 =	vld [tilespmem:s23+$0xFFFFFF90]  }
0x9f: {  	v9 =	vld [tilespmem:s23+$0xFFFFFFA0]  }
0xa0: {  	v10 =	vld [tilespmem:s23+$0xFFFFFFB0]  }
0xa1: {  	v11 =	vld [tilespmem:s23+$0xFFFFFFC0]  }
0xa2: {  	s21 =	sadd.s32 $0x200, s21;
	v12 =	vld [tilespmem:s23+$0xFFFFFFD0]  }
0xa3: {  	v13 =	vld [tilespmem:s23+$0xFFFFFFE0];
	[tilespmem:s21+$0x70] =	vst v6  }
0xa4: {  	v6 =	vld [tilespmem:s23+$0xFFFFFFF0]  }
0xa5: {  	v14 =	vld [tilespmem:s23+$0xFFFFFF10]  }
0xa6: {  	v0 =	vld.idx.msk [tilespmem:v0+s4+$0x0], $0xffff  }
0xa7: {  	v1 =	vld.idx.msk [tilespmem:v1+s4+$0x0], $0xffff  }
0xa8: {  	v2 =	vld.idx.msk [tilespmem:v2+s4+$0x0], $0xffff  }
0xa9: {  	v3 =	vld.idx.msk [tilespmem:v3+s4+$0x0], $0xffff  }
0xaa: {  	v4 =	vld.idx.msk [tilespmem:v4+s4+$0x0], $0xffff  }
0xab: {  	v5 =	vld.idx.msk [tilespmem:v5+s4+$0x0], $0xffff  }
0xac: {  	[tilespmem:s21+$0xFFFFFF10] =	vst v0;
	v7 =	vld.idx.msk [tilespmem:v7+s4+$0x0], $0xffff  }
0xad: {  	v14 =	vld.idx.msk [tilespmem:v14+s4+$0x0], $0xffff;
	[tilespmem:s21+$0xFFFFFF20] =	vst v1  }
0xae: {  	[tilespmem:s21+$0xFFFFFF30] =	vst v2;
	v8 =	vld.idx.msk [tilespmem:v8+s4+$0x0], $0xffff  }
0xaf: {  	[tilespmem:s21+$0xFFFFFF40] =	vst v3;
	v0 =	vld.idx.msk [tilespmem:v9+s4+$0x0], $0xffff  }
.Ltmp2:
0xb0: {  	[tilespmem:s21+$0xFFFFFF50] =	vst v4;
	v1 =	vld.idx.msk [tilespmem:v10+s4+$0x0], $0xffff;
	(pc) =	sbr.rel @p0 .LBB2_7-.Ltmp2, $4  }
0xb1: {  	[tilespmem:s21+$0xFFFFFF60] =	vst v5;
	v2 =	vld.idx.msk [tilespmem:v11+s4+$0x0], $0xffff  }
0xb2: {  	[tilespmem:s21+$0xFFFFFF70] =	vst v7;
	v3 =	vld.idx.msk [tilespmem:v12+s4+$0x0], $0xffff  }
0xb3: {  	[tilespmem:s21+$0xFFFFFF00] =	vst v14;
	v4 =	vld.idx.msk [tilespmem:v13+s4+$0x0], $0xffff  }
0xb4: {  	s23 =	sadd.s32 $0x100, s23;
	[tilespmem:s21+$0x0] =	vst v8;
	v5 =	vld.idx.msk [tilespmem:v6+s4+$0x0], $0xffff  }
0xb5: {  	[tilespmem:s21+$0x10] =	vst v0  }
0xb6: {  	[tilespmem:s21+$0x20] =	vst v1  }
0xb7: {  	[tilespmem:s21+$0x30] =	vst v2  }
0xb8: {  	[tilespmem:s21+$0x40] =	vst v3  }
0xb9: {  	s22 =	sadd.s32 s20, s7;
	s23 =	simm.s32 $0x1C780;
	[tilespmem:s21+$0x50] =	vst v4  }
0xba: {  	s24 =	simm.s32 $0x1C880;
	s25 =	sadd.s32 $0x0, s22;
	[tilespmem:s21+$0x60] =	vst v5;
	s21 =	simm.s32 $0x80  }
.LBB2_9:
0xbb: {  	[hbm4b:s25+s4] =	stream.linear.scatter [tilespmem:s23], [sflag:$0x3], $0x80, $0x38;
	[tilespmem:$0x1E700] =	vst v63  }
0xbc: {  	s25 =	smov.u32 s21;
	s23 =	smov.u32 s24;
	p0 =	sne.s32 s21, $0xF80  }
.Ltmp3:
0xbd: {  	s21 =	sadd.s32 $0x80, s21;
	(pc) =	sbr.rel @p0 .LBB2_9-.Ltmp3, $2  }
0xbe: {  	_ =	sdelay $0x2  }
0xbf: {  	s24 =	sadd.s32 $0x100, s24;
	s25 =	sadd.s32 s25, s22  }
0xc0: {  	[hbm4b:s25+s4] =	stream.linear.scatter [tilespmem:s23], [sflag:$0x3], $0x80, $0x38;
	[tilespmem:$0x1E700] =	vst v63  }
0xc1: {  	_ =	swait.ge [sflag:s16], $0x1000  }
0xc2: {  	[sflag:s16] =	ssyncset.done $0x0  }
0xc3: {  	s21 =	simm.s32 $0x1A7F0;
	[sflag:s16] =	ssyncadd.s32 $0xFFFFF000  }
0xc4: {  	v0 =	vld [tilespmem:s21+$0x0]  }
0xc5: {  	v1 =	vld [tilespmem:s21+$0xFFFFFF20]  }
0xc6: {  	v2 =	vld [tilespmem:s21+$0xFFFFFF30]  }
0xc7: {  	v3 =	vld [tilespmem:s21+$0xFFFFFF40]  }
0xc8: {  	v4 =	vld [tilespmem:s21+$0xFFFFFF50]  }
0xc9: {  	v5 =	vld [tilespmem:s21+$0xFFFFFF60]  }
0xca: {  	v6 =	vld [tilespmem:s21+$0xFFFFFF70]  }
0xcb: {  	v7 =	vld [tilespmem:s21+$0xFFFFFF80]  }
0xcc: {  	v8 =	vld [tilespmem:s21+$0xFFFFFF90]  }
0xcd: {  	v9 =	vld [tilespmem:s21+$0xFFFFFFA0]  }
0xce: {  	v10 =	vld [tilespmem:s21+$0xFFFFFFB0]  }
0xcf: {  	v11 =	vld [tilespmem:s21+$0xFFFFFFC0]  }
0xd0: {  	v12 =	vld [tilespmem:s21+$0xFFFFFFD0]  }
0xd1: {  	v13 =	vld [tilespmem:s21+$0xFFFFFFE0]  }
0xd2: {  	v14 =	vld [tilespmem:s21+$0xFFFFFFF0]  }
0xd3: {  	v15 =	vld [tilespmem:s21+$0xFFFFFF10]  }
0xd4: {  	v0 =	vld.idx.msk [tilespmem:v0+s4+$0x0], $0xffff  }
0xd5: {  	v1 =	vld.idx.msk [tilespmem:v1+s4+$0x0], $0xffff  }
0xd6: {  	v2 =	vld.idx.msk [tilespmem:v2+s4+$0x0], $0xffff  }
0xd7: {  	v3 =	vld.idx.msk [tilespmem:v3+s4+$0x0], $0xffff  }
0xd8: {  	v4 =	vld.idx.msk [tilespmem:v4+s4+$0x0], $0xffff  }
0xd9: {  	s21 =	simm.s32 $0x1C800;
	v5 =	vld.idx.msk [tilespmem:v5+s4+$0x0], $0xffff  }
0xda: {  	v6 =	vld.idx.msk [tilespmem:v6+s4+$0x0], $0xffff;
	[tilespmem:s21+$0x70] =	vst v0  }
0xdb: {  	v7 =	vld.idx.msk [tilespmem:v7+s4+$0x0], $0xffff;
	[tilespmem:s21+$0xFFFFFF10] =	vst v1  }
0xdc: {  	v15 =	vld.idx.msk [tilespmem:v15+s4+$0x0], $0xffff;
	[tilespmem:s21+$0xFFFFFF20] =	vst v2  }
0xdd: {  	v8 =	vld.idx.msk [tilespmem:v8+s4+$0x0], $0xffff;
	[tilespmem:s21+$0xFFFFFF30] =	vst v3  }
0xde: {  	[tilespmem:s21+$0xFFFFFF40] =	vst v4;
	v0 =	vld.idx.msk [tilespmem:v9+s4+$0x0], $0xffff  }
0xdf: {  	[tilespmem:s21+$0xFFFFFF50] =	vst v5;
	v1 =	vld.idx.msk [tilespmem:v10+s4+$0x0], $0xffff  }
0xe0: {  	[tilespmem:s21+$0xFFFFFF60] =	vst v6;
	v2 =	vld.idx.msk [tilespmem:v11+s4+$0x0], $0xffff  }
0xe1: {  	[tilespmem:s21+$0xFFFFFF70] =	vst v7;
	v3 =	vld.idx.msk [tilespmem:v12+s4+$0x0], $0xffff  }
0xe2: {  	[tilespmem:s21+$0xFFFFFF00] =	vst v15;
	v4 =	vld.idx.msk [tilespmem:v13+s4+$0x0], $0xffff  }
0xe3: {  	s22 =	simm.s32 $0x0;
	s23 =	simm.s32 $0x1A8F0;
	[tilespmem:s21+$0x0] =	vst v8;
	v5 =	vld.idx.msk [tilespmem:v14+s4+$0x0], $0xffff  }
.LBB2_11:
0xe4: {  	v6 =	vld [tilespmem:s23+$0x0];
	s22 =	sadd.s32 $0x100, s22;
	[tilespmem:s21+$0x10] =	vst v0  }
0xe5: {  	v0 =	vld [tilespmem:s23+$0xFFFFFF20];
	p0 =	slt.u32 s22, $0xF00;
	[tilespmem:s21+$0x20] =	vst v1  }
0xe6: {  	v1 =	vld [tilespmem:s23+$0xFFFFFF30];
	[tilespmem:s21+$0x30] =	vst v2  }
0xe7: {  	v2 =	vld [tilespmem:s23+$0xFFFFFF40];
	[tilespmem:s21+$0x40] =	vst v3  }
0xe8: {  	v3 =	vld [tilespmem:s23+$0xFFFFFF50];
	[tilespmem:s21+$0x50] =	vst v4  }
0xe9: {  	v4 =	vld [tilespmem:s23+$0xFFFFFF60];
	[tilespmem:s21+$0x60] =	vst v5  }
0xea: {  	v5 =	vld [tilespmem:s23+$0xFFFFFF70]  }
0xeb: {  	v7 =	vld [tilespmem:s23+$0xFFFFFF80]  }
0xec: {  	v6 =	vld.idx.msk [tilespmem:v6+s4+$0x0], $0xffff  }
0xed: {  	v8 =	vld [tilespmem:s23+$0xFFFFFF90]  }
0xee: {  	v9 =	vld [tilespmem:s23+$0xFFFFFFA0]  }
0xef: {  	v10 =	vld [tilespmem:s23+$0xFFFFFFB0]  }
0xf0: {  	v11 =	vld [tilespmem:s23+$0xFFFFFFC0]  }
0xf1: {  	s21 =	sadd.s32 $0x200, s21;
	v12 =	vld [tilespmem:s23+$0xFFFFFFD0]  }
0xf2: {  	v13 =	vld [tilespmem:s23+$0xFFFFFFE0];
	[tilespmem:s21+$0x70] =	vst v6  }
0xf3: {  	v6 =	vld [tilespmem:s23+$0xFFFFFFF0]  }
0xf4: {  	v14 =	vld [tilespmem:s23+$0xFFFFFF10]  }
0xf5: {  	v0 =	vld.idx.msk [tilespmem:v0+s4+$0x0], $0xffff  }
0xf6: {  	v1 =	vld.idx.msk [tilespmem:v1+s4+$0x0], $0xffff  }
0xf7: {  	v2 =	vld.idx.msk [tilespmem:v2+s4+$0x0], $0xffff  }
0xf8: {  	v3 =	vld.idx.msk [tilespmem:v3+s4+$0x0], $0xffff  }
0xf9: {  	v4 =	vld.idx.msk [tilespmem:v4+s4+$0x0], $0xffff  }
0xfa: {  	v5 =	vld.idx.msk [tilespmem:v5+s4+$0x0], $0xffff  }
0xfb: {  	[tilespmem:s21+$0xFFFFFF10] =	vst v0;
	v7 =	vld.idx.msk [tilespmem:v7+s4+$0x0], $0xffff  }
0xfc: {  	v14 =	vld.idx.msk [tilespmem:v14+s4+$0x0], $0xffff;
	[tilespmem:s21+$0xFFFFFF20] =	vst v1  }
0xfd: {  	[tilespmem:s21+$0xFFFFFF30] =	vst v2;
	v8 =	vld.idx.msk [tilespmem:v8+s4+$0x0], $0xffff  }
0xfe: {  	[tilespmem:s21+$0xFFFFFF40] =	vst v3;
	v0 =	vld.idx.msk [tilespmem:v9+s4+$0x0], $0xffff  }
.Ltmp4:
0xff: {  	[tilespmem:s21+$0xFFFFFF50] =	vst v4;
	v1 =	vld.idx.msk [tilespmem:v10+s4+$0x0], $0xffff;
	(pc) =	sbr.rel @p0 .LBB2_11-.Ltmp4, $4  }
0x100: {  	[tilespmem:s21+$0xFFFFFF60] =	vst v5;
	v2 =	vld.idx.msk [tilespmem:v11+s4+$0x0], $0xffff  }
0x101: {  	[tilespmem:s21+$0xFFFFFF70] =	vst v7;
	v3 =	vld.idx.msk [tilespmem:v12+s4+$0x0], $0xffff  }
0x102: {  	[tilespmem:s21+$0xFFFFFF00] =	vst v14;
	v4 =	vld.idx.msk [tilespmem:v13+s4+$0x0], $0xffff  }
0x103: {  	s23 =	sadd.s32 $0x100, s23;
	[tilespmem:s21+$0x0] =	vst v8;
	v5 =	vld.idx.msk [tilespmem:v6+s4+$0x0], $0xffff  }
0x104: {  	[tilespmem:s21+$0x10] =	vst v0  }
0x105: {  	[tilespmem:s21+$0x20] =	vst v1  }
0x106: {  	[tilespmem:s21+$0x30] =	vst v2  }
0x107: {  	[tilespmem:s21+$0x40] =	vst v3  }
0x108: {  	s22 =	sadd.s32 s20, s8;
	s23 =	simm.s32 $0x1C700;
	[tilespmem:s21+$0x50] =	vst v4  }
0x109: {  	s24 =	simm.s32 $0x1C800;
	s25 =	sadd.s32 $0x0, s22;
	[tilespmem:s21+$0x60] =	vst v5;
	s21 =	simm.s32 $0x80  }
.LBB2_13:
0x10a: {  	[hbm4b:s25+s4] =	stream.linear.scatter [tilespmem:s23], [sflag:$0x2], $0x80, $0x38;
	[tilespmem:$0x1E700] =	vst v63  }
0x10b: {  	s25 =	smov.u32 s21;
	s23 =	smov.u32 s24;
	p0 =	sne.s32 s21, $0xF80  }
.Ltmp5:
0x10c: {  	s21 =	sadd.s32 $0x80, s21;
	(pc) =	sbr.rel @p0 .LBB2_13-.Ltmp5, $2  }
0x10d: {  	_ =	sdelay $0x2  }
0x10e: {  	s24 =	sadd.s32 $0x100, s24;
	s25 =	sadd.s32 s25, s22  }
0x10f: {  	[hbm4b:s25+s4] =	stream.linear.scatter [tilespmem:s23], [sflag:$0x2], $0x80, $0x38;
	[tilespmem:$0x1E700] =	vst v63  }
0x110: {  	_ =	swait.ge [sflag:s17], $0x1000  }
0x111: {  	[sflag:s17] =	ssyncset.done $0x0  }
0x112: {  	s21 =	simm.s32 $0x1B7F0;
	[sflag:s17] =	ssyncadd.s32 $0xFFFFF000  }
0x113: {  	v0 =	vld [tilespmem:s21+$0x0]  }
0x114: {  	v1 =	vld [tilespmem:s21+$0xFFFFFF20]  }
0x115: {  	v2 =	vld [tilespmem:s21+$0xFFFFFF30]  }
0x116: {  	v3 =	vld [tilespmem:s21+$0xFFFFFF40]  }
0x117: {  	v4 =	vld [tilespmem:s21+$0xFFFFFF50]  }
0x118: {  	v5 =	vld [tilespmem:s21+$0xFFFFFF60]  }
0x119: {  	v6 =	vld [tilespmem:s21+$0xFFFFFF70]  }
0x11a: {  	v7 =	vld [tilespmem:s21+$0xFFFFFF80]  }
0x11b: {  	v8 =	vld [tilespmem:s21+$0xFFFFFF90]  }
0x11c: {  	v9 =	vld [tilespmem:s21+$0xFFFFFFA0]  }
0x11d: {  	v10 =	vld [tilespmem:s21+$0xFFFFFFB0]  }
0x11e: {  	v11 =	vld [tilespmem:s21+$0xFFFFFFC0]  }
0x11f: {  	v12 =	vld [tilespmem:s21+$0xFFFFFFD0]  }
0x120: {  	v13 =	vld [tilespmem:s21+$0xFFFFFFE0]  }
0x121: {  	v14 =	vld [tilespmem:s21+$0xFFFFFFF0]  }
0x122: {  	v15 =	vld [tilespmem:s21+$0xFFFFFF10]  }
0x123: {  	v0 =	vld.idx.msk [tilespmem:v0+s4+$0x0], $0xffff  }
0x124: {  	v1 =	vld.idx.msk [tilespmem:v1+s4+$0x0], $0xffff  }
0x125: {  	v2 =	vld.idx.msk [tilespmem:v2+s4+$0x0], $0xffff  }
0x126: {  	v3 =	vld.idx.msk [tilespmem:v3+s4+$0x0], $0xffff  }
0x127: {  	v4 =	vld.idx.msk [tilespmem:v4+s4+$0x0], $0xffff  }
0x128: {  	s21 =	simm.s32 $0x1C880;
	v5 =	vld.idx.msk [tilespmem:v5+s4+$0x0], $0xffff  }
0x129: {  	v6 =	vld.idx.msk [tilespmem:v6+s4+$0x0], $0xffff;
	[tilespmem:s21+$0x70] =	vst v0  }
0x12a: {  	v7 =	vld.idx.msk [tilespmem:v7+s4+$0x0], $0xffff;
	[tilespmem:s21+$0xFFFFFF10] =	vst v1  }
0x12b: {  	v15 =	vld.idx.msk [tilespmem:v15+s4+$0x0], $0xffff;
	[tilespmem:s21+$0xFFFFFF20] =	vst v2  }
0x12c: {  	v8 =	vld.idx.msk [tilespmem:v8+s4+$0x0], $0xffff;
	[tilespmem:s21+$0xFFFFFF30] =	vst v3  }
0x12d: {  	[tilespmem:s21+$0xFFFFFF40] =	vst v4;
	v0 =	vld.idx.msk [tilespmem:v9+s4+$0x0], $0xffff  }
0x12e: {  	[tilespmem:s21+$0xFFFFFF50] =	vst v5;
	v1 =	vld.idx.msk [tilespmem:v10+s4+$0x0], $0xffff  }
0x12f: {  	[tilespmem:s21+$0xFFFFFF60] =	vst v6;
	v2 =	vld.idx.msk [tilespmem:v11+s4+$0x0], $0xffff  }
0x130: {  	[tilespmem:s21+$0xFFFFFF70] =	vst v7;
	v3 =	vld.idx.msk [tilespmem:v12+s4+$0x0], $0xffff  }
0x131: {  	[tilespmem:s21+$0xFFFFFF00] =	vst v15;
	v4 =	vld.idx.msk [tilespmem:v13+s4+$0x0], $0xffff  }
0x132: {  	s22 =	simm.s32 $0x0;
	s23 =	simm.s32 $0x1B8F0;
	[tilespmem:s21+$0x0] =	vst v8;
	v5 =	vld.idx.msk [tilespmem:v14+s4+$0x0], $0xffff  }
.LBB2_15:
0x133: {  	v6 =	vld [tilespmem:s23+$0x0];
	s22 =	sadd.s32 $0x100, s22;
	[tilespmem:s21+$0x10] =	vst v0  }
0x134: {  	v0 =	vld [tilespmem:s23+$0xFFFFFF20];
	p0 =	slt.u32 s22, $0xF00;
	[tilespmem:s21+$0x20] =	vst v1  }
0x135: {  	v1 =	vld [tilespmem:s23+$0xFFFFFF30];
	[tilespmem:s21+$0x30] =	vst v2  }
0x136: {  	v2 =	vld [tilespmem:s23+$0xFFFFFF40];
	[tilespmem:s21+$0x40] =	vst v3  }
0x137: {  	v3 =	vld [tilespmem:s23+$0xFFFFFF50];
	[tilespmem:s21+$0x50] =	vst v4  }
0x138: {  	v4 =	vld [tilespmem:s23+$0xFFFFFF60];
	[tilespmem:s21+$0x60] =	vst v5  }
0x139: {  	v5 =	vld [tilespmem:s23+$0xFFFFFF70]  }
0x13a: {  	v7 =	vld [tilespmem:s23+$0xFFFFFF80]  }
0x13b: {  	v6 =	vld.idx.msk [tilespmem:v6+s4+$0x0], $0xffff  }
0x13c: {  	v8 =	vld [tilespmem:s23+$0xFFFFFF90]  }
0x13d: {  	v9 =	vld [tilespmem:s23+$0xFFFFFFA0]  }
0x13e: {  	v10 =	vld [tilespmem:s23+$0xFFFFFFB0]  }
0x13f: {  	v11 =	vld [tilespmem:s23+$0xFFFFFFC0]  }
0x140: {  	s21 =	sadd.s32 $0x200, s21;
	v12 =	vld [tilespmem:s23+$0xFFFFFFD0]  }
0x141: {  	v13 =	vld [tilespmem:s23+$0xFFFFFFE0];
	[tilespmem:s21+$0x70] =	vst v6  }
0x142: {  	v6 =	vld [tilespmem:s23+$0xFFFFFFF0]  }
0x143: {  	v14 =	vld [tilespmem:s23+$0xFFFFFF10]  }
0x144: {  	v0 =	vld.idx.msk [tilespmem:v0+s4+$0x0], $0xffff  }
0x145: {  	v1 =	vld.idx.msk [tilespmem:v1+s4+$0x0], $0xffff  }
0x146: {  	v2 =	vld.idx.msk [tilespmem:v2+s4+$0x0], $0xffff  }
0x147: {  	v3 =	vld.idx.msk [tilespmem:v3+s4+$0x0], $0xffff  }
0x148: {  	v4 =	vld.idx.msk [tilespmem:v4+s4+$0x0], $0xffff  }
0x149: {  	v5 =	vld.idx.msk [tilespmem:v5+s4+$0x0], $0xffff  }
0x14a: {  	[tilespmem:s21+$0xFFFFFF10] =	vst v0;
	v7 =	vld.idx.msk [tilespmem:v7+s4+$0x0], $0xffff  }
0x14b: {  	v14 =	vld.idx.msk [tilespmem:v14+s4+$0x0], $0xffff;
	[tilespmem:s21+$0xFFFFFF20] =	vst v1  }
0x14c: {  	[tilespmem:s21+$0xFFFFFF30] =	vst v2;
	v8 =	vld.idx.msk [tilespmem:v8+s4+$0x0], $0xffff  }
0x14d: {  	[tilespmem:s21+$0xFFFFFF40] =	vst v3;
	v0 =	vld.idx.msk [tilespmem:v9+s4+$0x0], $0xffff  }
.Ltmp6:
0x14e: {  	[tilespmem:s21+$0xFFFFFF50] =	vst v4;
	v1 =	vld.idx.msk [tilespmem:v10+s4+$0x0], $0xffff;
	(pc) =	sbr.rel @p0 .LBB2_15-.Ltmp6, $4  }
0x14f: {  	[tilespmem:s21+$0xFFFFFF60] =	vst v5;
	v2 =	vld.idx.msk [tilespmem:v11+s4+$0x0], $0xffff  }
0x150: {  	[tilespmem:s21+$0xFFFFFF70] =	vst v7;
	v3 =	vld.idx.msk [tilespmem:v12+s4+$0x0], $0xffff  }
0x151: {  	[tilespmem:s21+$0xFFFFFF00] =	vst v14;
	v4 =	vld.idx.msk [tilespmem:v13+s4+$0x0], $0xffff  }
0x152: {  	s23 =	sadd.s32 $0x100, s23;
	[tilespmem:s21+$0x0] =	vst v8;
	v5 =	vld.idx.msk [tilespmem:v6+s4+$0x0], $0xffff  }
0x153: {  	[tilespmem:s21+$0x10] =	vst v0  }
0x154: {  	[tilespmem:s21+$0x20] =	vst v1  }
0x155: {  	[tilespmem:s21+$0x30] =	vst v2  }
0x156: {  	[tilespmem:s21+$0x40] =	vst v3  }
0x157: {  	s20 =	sadd.s32 s20, s9;
	s22 =	simm.s32 $0x1C780;
	[tilespmem:s21+$0x50] =	vst v4  }
0x158: {  	s23 =	simm.s32 $0x1C880;
	s24 =	sadd.s32 $0x0, s20;
	[tilespmem:s21+$0x60] =	vst v5;
	s21 =	simm.s32 $0x80  }
.LBB2_17:
0x159: {  	[hbm4b:s24+s4] =	stream.linear.scatter [tilespmem:s22], [sflag:$0x3], $0x80, $0x38;
	[tilespmem:$0x1E700] =	vst v63  }
0x15a: {  	s24 =	smov.u32 s21;
	s22 =	smov.u32 s23;
	p0 =	sne.s32 s21, $0xF80  }
.Ltmp7:
0x15b: {  	s21 =	sadd.s32 $0x80, s21;
	(pc) =	sbr.rel @p0 .LBB2_17-.Ltmp7, $2  }
0x15c: {  	_ =	sdelay $0x2  }
0x15d: {  	s23 =	sadd.s32 $0x100, s23;
	s24 =	sadd.s32 s24, s20  }
0x15e: {  	s19 =	sadd.s32 $0x1, s19  }
0x15f: {  	p0 =	sne.s32 s19, $0xD  }
.Ltmp8:
0x160: {  	_ = 	snop;
	(pc) =	sbr.rel @p0 .LBB2_2-.Ltmp8, $2  }
0x161: {  	_ =	sdelay $0x2  }
0x162: {  	[hbm4b:s24+s4] =	stream.linear.scatter [tilespmem:s22], [sflag:$0x3], $0x80, $0x38;
	[tilespmem:$0x1E700] =	vst v63  }
0x163: {  	s18 =	sadd.s32 $0x1, s18  }
0x164: {  	_ =	swait.ge [sflag:s16], $0x1000;
	p0 =	sne.s32 s18, s10  }
.Ltmp9:
0x165: {  	[sflag:s16] =	ssyncset.done $0x0;
	(pc) =	sbr.rel @p0 .LBB2_1-.Ltmp9, $4  }
0x166: {  	[sflag:s16] =	ssyncadd.s32 $0xFFFFF000  }
0x167: {  	_ =	swait.ge [sflag:s17], $0x1000  }
0x168: {  	[sflag:s17] =	ssyncset.done $0x0  }
0x169: {  	[sflag:s17] =	ssyncadd.s32 $0xFFFFF000  }
0x16a: {  	_ =	sfence.sel $0x180000  }
0x16b: {  	[bflag:$0x0] =	sbarrier.arrive $0xFFFF  }
0x16c: {  	p0 =	sne.s32 s3, $0x0;
	_ =	strace $0x90000047  }
0x16d: {  	s0 =	sadd.s32 @!p0 $0x100000, s0;
	[bflag:$0x2] =	sbarrier.arrive $0xFFFF  }
0x16e: {  	[sflag:s0] =	ssyncadd.tile.s32 @!p0 $0x1;
	_ =	shalt  }
.Lfunc_end2:
_tile_overlayer_lowered:
.L_overlay_start_2:
0x16f: {  	(tag) =	ssettag $0x2  }
0x170: {  	s0 =	rddreg [dreg:$0x0];
	s2 =	stileid.u32  }
0x171: {  	s1 =	rddreg [dreg:$0x1];
	p0 =	sne.s32 s2, $0x0  }
0x172: {  	s3 =	rddreg [dreg:$0x2];
	[bflag:$0x3] =	sbarrier.arrive $0xFFFF;
	s2 =	simm.s32 @!p0 $0x1C04  }
0x173: {  	[timem:s3], [sflag:s2] =	dma.local @!p0 [hbm:s0], s1  }
0x174: {  	s0 =	simm.s32 @!p0 $0x4  }
0x175: {  	_ =	swait.ge @!p0 [sflag:s0], s1  }
0x176: {  	s1 =	ssub.s32 @!p0 $0x0, s1;
	[sflag:s0] =	ssyncset.done @!p0 $0x0  }
0x177: {  	[sflag:s0] =	ssyncadd.s32 @!p0 s1  }
0x178: {  	[bflag:$0x3] =	sbarrier.arrive $0xFFFF  }
0x179: {  	_ =	shalt  }

// kernel: kernel.9.cloned.1.call-start
scs
__scs_entry_jumppad:
0x0: {  	(pc) =	sbr.rel $0x88, $3  }
0x1: {  	(tag) =	ssettag $0x0;
	lr =	simm.s32 $0x1  }
0x2: {  	[smem:$0x3F9A] =	sst lr;
	_ =	strace $0xD0000000  }
0x3: {  	_ = 	snop  }
0x4: {  	_ = 	snop  }
0x5: {  	_ = 	snop  }
0x6: {  	_ = 	snop  }
0x7: {  	_ = 	snop  }
__scs_overlays_trampoline_lowered:
0x8: {  	[smem:$0x3FA9] =	sst s0  }
0x9: {  	[smem:$0x3FAA] =	sst s1  }
0xa: {  	[smem:$0x3FAB] =	sst s2  }
0xb: {  	[smem:$0x3FAC] =	sst s3  }
0xc: {  	[smem:$0x3FAD] =	sst s4  }
0xd: {  	[smem:$0x3FAE] =	sst s5  }
0xe: {  	[smem:$0x3FAF] =	sst s6  }
0xf: {  	[smem:$0x3FB0] =	sst s7  }
0x10: {  	[smem:$0x3FB1] =	sst s8  }
0x11: {  	[smem:$0x3FB2] =	sst s9;
	s0 =	simm.s32 @!p0 $0x0  }
0x12: {  	s1 =	sld [smem:$0x3F98];
	s0 =	simm.s32 @p0 $0x1  }
0x13: {  	[smem:$0x3FB3] =	sst s0;
	s0 =	simm.s32 @!p1 $0x0  }
0x14: {  	s2 =	sld [smem:$0x3F97];
	s0 =	simm.s32 @p1 $0x1  }
0x15: {  	[smem:$0x3FB4] =	sst s0;
	s0 =	simm.s32 @!p2 $0x0  }
0x16: {  	s3 =	sld [smem:$0x3FDB];
	s0 =	simm.s32 @p2 $0x1  }
0x17: {  	s4 =	simm.s32 $0x1BF5;
	[smem:$0x3FB6] =	sst s0  }
0x18: {  	s0 =	sld [smem:$0x3F99];
	_ =	swait.ge [sflag:s4], $0x0  }
0x19: {  	s7 =	sld [smem:$0x3F9A]  }
0x1a: {  	s8 =	sadd.s32 $0xFFFFE003, lr  }
0x1b: {  	s9 =	sadd.s32 $0xFFFFFEF7, lr;
	s5 =	simm.s32 $0xFFFFFFFF;
	p2 =	slt.u32 s8, $0xFFFFF086  }
0x1c: {  	p1 =	slt.u32 s9, $0xF7A;
	s5 =	simm.s32 @!p2 $0x0  }
0x1d: {  	s5 =	simm.s32 @p1 $0x1;
	p0 =	seq.s32 s7, s2  }
0x1e: {  	s7 =	smul.u32 @!p0 $0xF7A, s2;
	p2 =	seq.s32 @!p0 s5, $0x0  }
0x1f: {  	s9 =	smul.u32 $0xF7A, s1;
	s8 =	simm.s32 @!p0 $0x1BF5;
	p2 =	por !p2, p0  }
0x20: {  	[sflag:s8] =	ssyncset.s32 @!p0 $0xFFFFF086;
	s6 =	sadd.s32 @!p0 s3, s7;
	s7 =	simm.s32 @!p0 $0x108  }
0x21: {  	s3 =	sadd.s32 s3, s9;
	s6 =	sadd.s32 @!p0 $0x88, s6;
	s7 =	simm.s32 @p2 $0x1082  }
0x22: {  	[simem:s7], [sflag:s8] =	dma.local @!p0 [hbm:s6], $0xF7A  }
0x23: {  	s9 =	sor.u32 $0xD0000000, s2;
	s6 =	simm.s32 $0x108;
	_ =	swait.ge @!p0 [sflag:s8], $0x0  }
0x24: {  	s3 =	sadd.s32 $0x88, s3;
	s6 =	simm.s32 @!p1 $0x1082;
	[sflag:s4] =	ssyncset.s32 $0xFFFFF086  }
0x25: {  	[simem:s6], [sflag:s4] =	dma.local [hbm:s3], $0xF7A  }
0x26: {  	[smem:$0x3F9A] =	sst s1;
	(tag) =	ssettag s2;
	_ =	strace s9  }
0x27: {  	s1 =	sld [smem:$0x3FAA]  }
0x28: {  	s2 =	sld [smem:$0x3FAB]  }
0x29: {  	s4 =	sld [smem:$0x3FAD]  }
0x2a: {  	p0 =	seq.s32 s5, $0x0;
	s5 =	sld [smem:$0x3FAE]  }
0x2b: {  	s6 =	sld [smem:$0x3FAF]  }
0x2c: {  	s7 =	sld [smem:$0x3FB0]  }
0x2d: {  	s3 =	simm.s32 $0x108;
	s8 =	sld [smem:$0x3FB1]  }
0x2e: {  	s3 =	simm.s32 @!p0 $0x1082;
	s9 =	sld [smem:$0x3FB2]  }
0x2f: {  	lr =	sadd.s32 s0, s3;
	s0 =	sld [smem:$0x3FA9]  }
0x30: {  	s3 =	sld [smem:$0x3FAC]  }
0x31: {  	[smem:$0x3FB5] =	sst s10  }
0x32: {  	s10 =	sld [smem:$0x3FB3];
	_ =	sdelay $0x3  }
0x33: {  	p0 =	seq.s32 s10, $0x1;
	s10 =	sld [smem:$0x3FB5];
	_ =	sdelay $0x3  }
0x34: {  	[smem:$0x3FB5] =	sst s10  }
0x35: {  	s10 =	sld [smem:$0x3FB4];
	_ =	sdelay $0x3  }
0x36: {  	p1 =	seq.s32 s10, $0x1;
	s10 =	sld [smem:$0x3FB5];
	_ =	sdelay $0x3  }
0x37: {  	[smem:$0x3FB5] =	sst s10  }
0x38: {  	s10 =	sld [smem:$0x3FB6]  }
0x39: {  	_ = 	snop;
	(pc) =	sbr.ind lr, $3  }
0x3a: {  	_ = 	snop  }
0x3b: {  	_ = 	snop  }
0x3c: {  	p2 =	seq.s32 s10, $0x1;
	s10 =	sld [smem:$0x3FB5]  }
0x3d: {  	_ =	shalt  }
0x3e: {  	_ =	shalt  }
0x3f: {  	_ =	shalt  }
0x40: {  	_ =	shalt  }
0x41: {  	_ =	shalt  }
0x42: {  	_ =	shalt  }
0x43: {  	_ =	shalt  }
0x44: {  	_ =	shalt  }
0x45: {  	_ =	shalt  }
0x46: {  	_ =	shalt  }
0x47: {  	_ =	shalt  }
0x48: {  	_ =	shalt  }
0x49: {  	_ =	shalt  }
0x4a: {  	_ =	shalt  }
0x4b: {  	_ =	shalt  }
0x4c: {  	_ =	shalt  }
0x4d: {  	_ =	shalt  }
0x4e: {  	_ =	shalt  }
0x4f: {  	_ =	shalt  }
0x50: {  	_ =	shalt  }
0x51: {  	_ =	shalt  }
0x52: {  	_ =	shalt  }
0x53: {  	_ =	shalt  }
0x54: {  	_ =	shalt  }
0x55: {  	_ =	shalt  }
0x56: {  	_ =	shalt  }
0x57: {  	_ =	shalt  }
0x58: {  	_ =	shalt  }
0x59: {  	_ =	shalt  }
0x5a: {  	_ =	shalt  }
0x5b: {  	_ =	shalt  }
0x5c: {  	_ =	shalt  }
0x5d: {  	_ =	shalt  }
0x5e: {  	_ =	shalt  }
0x5f: {  	_ =	shalt  }
0x60: {  	_ =	shalt  }
0x61: {  	_ =	shalt  }
0x62: {  	_ =	shalt  }
0x63: {  	_ =	shalt  }
0x64: {  	_ =	shalt  }
0x65: {  	_ =	shalt  }
0x66: {  	_ =	shalt  }
0x67: {  	_ =	shalt  }
0x68: {  	_ =	shalt  }
0x69: {  	_ =	shalt  }
0x6a: {  	_ =	shalt  }
0x6b: {  	_ =	shalt  }
0x6c: {  	_ =	shalt  }
0x6d: {  	_ =	shalt  }
0x6e: {  	_ =	shalt  }
0x6f: {  	_ =	shalt  }
0x70: {  	_ =	shalt  }
0x71: {  	_ =	shalt  }
0x72: {  	_ =	shalt  }
0x73: {  	_ =	shalt  }
0x74: {  	_ =	shalt  }
0x75: {  	_ =	shalt  }
0x76: {  	_ =	shalt  }
0x77: {  	_ =	shalt  }
0x78: {  	_ =	shalt  }
0x79: {  	_ =	shalt  }
0x7a: {  	_ =	shalt  }
0x7b: {  	_ =	shalt  }
0x7c: {  	_ =	shalt  }
0x7d: {  	_ =	shalt  }
0x7e: {  	_ =	shalt  }
0x7f: {  	_ =	shalt  }
0x80: {  	_ =	shalt  }
0x81: {  	_ =	shalt  }
0x82: {  	_ =	shalt  }
0x83: {  	_ =	shalt  }
0x84: {  	_ =	shalt  }
0x85: {  	_ =	shalt  }
0x86: {  	_ =	shalt  }
0x87: {  	_ =	shalt  }
.Lfunc_end0:
.L_simem_size_0:
called_computation.1_lowered:
.L_overlay_start_0:
0x88: {  	s2 =	sld [smem:$0x3FD9]  }
0x89: {  	s3 =	sld [smem:$0x3FFE];
	_ =	sdelay $0x1  }
0x8a: {  	s1 =	srdreg.scid  }
0x8b: {  	s0 =	sand.u32 $0x1, s1  }
0x8c: {  	s17 =	sshll.u32 s0, $0xA;
	s2 =	sadd.s32 s3, s2  }
0x8d: {  	s2 =	sadd.s32 s2, s17  }
0x8e: {  	[smem:$0x3FC1] =	sst s2  }
0x8f: {  	_ = 	snop  }
0x90: {  	s18 =	sld [smem:$0x3FC9]  }
0x91: {  	s4 =	sld [smem:$0x3FC7];
	(tm) =	ssettm $0x1  }
0x92: {  	s19 =	sld [smem:$0x3FFB];
	_ =	sdelay $0x3  }
0x93: {  	_ =	strace s19  }
0x94: {  	s2 =	sld [smem:$0x3FFC];
	_ =	sdelay $0x3  }
0x95: {  	_ =	strace s2  }
0x96: {  	s2 =	sld [smem:$0x3FFD];
	_ =	sdelay $0x3  }
0x97: {  	_ =	strace s2  }
0x98: {  	_ =	strace $0x8FFFFFFF  }
0x99: {  	s20 =	sld [smem:$0x3FDB];
	_ =	sdelay $0x1  }
0x9a: {  	s5 =	simm.s32 $_scs_section_size  }
0x9b: {  	s6 =	simm.s32 $_size__tile_overlayer_lowered;
	s7 =	simm.s32 $_tile_overlayer_lowered  }
0x9c: {  	s8 =	simm.s32 $0x1BFF;
	s21 =	sshll.u32 s7, $0x1;
	s5 =	sadd.s32 s5, s20  }
0x9d: {  	s22 =	simm.s32 $0x0;
	s6 =	sshll.u32 s6, $0x1;
	s7 =	sadd.s32 s21, s5  }
0x9e: {  	[timem:s22], [sflag:s8] =	dma.local [hbm:s7], s6  }
0x9f: {  	_ =	swait.ge [sflag:s8], s6  }
0xa0: {  	s6 =	ssub.s32 $0x0, s6;
	[sflag:s8] =	ssyncset.done $0x0  }
0xa1: {  	[sflag:s8] =	ssyncadd.s32 s6;
	_ =	sdelay $0x1  }
0xa2: {  	s23 =	simm.s32 $0x1B8B  }
0xa3: {  	_ =	swait.ge [sflag:s23], $0x1  }
0xa4: {  	[sflag:s23] =	ssyncset.done $0x0  }
0xa5: {  	[sflag:s23] =	ssyncadd.s32 $0xFFFFFFFF  }
0xa6: {  	s6 =	sld [smem:$0x0]  }
0xa7: {  	s7 =	sand.u32 $0xFFFFFFFE, s1  }
0xa8: {  	p0 =	sne.s32 s1, s7  }
0xa9: {  	s7 =	sshll.u32 @p0 s7, $0xE  }
0xaa: {  	s7 =	sadd.s32 @p0 $0x11B8D, s7;
	s8 =	sshll.u32 @p0 s6, $0x11  }
0xab: {  	s7 =	sor.u32 @p0 s8, s7  }
0xac: {  	[sflag:s7] =	ssyncadd.remote.s32 @p0 $0x1;
	_ =	sdelay $0x1  }
0xad: {  	s7 =	simm.s32 @p0 $0x1B8D  }
0xae: {  	_ =	swait.eq @p0 [sflag:s7], $0x1  }
0xaf: {  	[sflag:s7] =	ssyncadd.s32 @p0 $0xFFFFFFFF  }
0xb0: {  	s8 =	sshll.u32 @!p0 s1, $0xE  }
0xb1: {  	s8 =	sor.u32 @!p0 $0x4000, s8;
	s7 =	simm.s32 @!p0 $0x1B8D  }
0xb2: {  	s6 =	sshll.u32 @!p0 s6, $0x11;
	s8 =	sadd.s32 @!p0 $0x11B8D, s8;
	_ =	swait.eq @!p0 [sflag:s7], $0x1  }
0xb3: {  	s6 =	sor.u32 @!p0 s6, s8;
	[sflag:s7] =	ssyncadd.s32 @!p0 $0xFFFFFFFF  }
0xb4: {  	s25 =	simm.s32 $0x1B8E;
	s24 =	sld [smem:$0x3FFE];
	[sflag:s6] =	ssyncadd.remote.s32 @!p0 $0x1  }
0xb5: {  	s26 =	simm.s32 $execute0_lowered;
	[smem:$0x3FD2] =	sst s25  }
0xb6: {  	s7 =	sshll.u32 s26, $0x1;
	_ =	strace $0x80000049;
	[dreg:$0x1] =	wrdreg $0xFFFFFFFF  }
0xb7: {  	s28 =	simm.s32 $_size_execute0_lowered;
	s5 =	sadd.s32 s5, s7;
	[dreg:$0x0] =	wrdreg $0x0  }
0xb8: {  	s7 =	sshll.u32 s28, $0x1;
	[dreg:$0x2] =	wrdreg s5  }
0xb9: {  	[dreg:$0x3] =	wrdreg s7  }
0xba: {  	[dreg:$0x4] =	wrdreg $0xC0  }
0xbb: {  	_ =	task [dreg:s22], $0x5FFFF  }
0xbc: {  	[dreg:$0x1] =	wrdreg $0xFFFFFFFF  }
0xbd: {  	[dreg:$0x0] =	wrdreg $0x60  }
0xbe: {  	[dreg:$0x2] =	wrdreg s4  }
0xbf: {  	[dreg:$0x3] =	wrdreg s18  }
0xc0: {  	[dreg:$0x4] =	wrdreg s24  }
0xc1: {  	[dreg:$0x5] =	wrdreg $0xA  }
0xc2: {  	_ =	task.clear_ibuf [dreg:s22], $0x6FFFF;
	_ =	strace $0x90000049  }
0xc3: {  	s29 =	simm.s32 $0xA;
	_ =	strace $0x8000004B  }
0xc4: {  	_ =	swait.ge [sflag:s29], $0x1  }
0xc5: {  	[sflag:s29] =	ssyncadd.s32 $0xFFFFFFFF  }
0xc6: {  	_ =	strace $0x9000004B  }
0xc7: {  	_ =	sfence  }
0xc8: {  	s30 =	sld [smem:$0x0];
	_ =	sdelay $0x2  }
0xc9: {  	s31 =	sshll.u32 s1, $0xD;
	s1 =	sshrl.u32 s1, $0x2  }
0xca: {  	s4 =	sand.u32 $0x4000, s31;
	s1 =	sadd.s32 s1, s30  }
0xcb: {  	s0 =	sor.u32 s4, s0;
	s1 =	sshll.u32 s1, $0x11  }
0xcc: {  	s0 =	sor.u32 s1, s0  }
0xcd: {  	s0 =	sadd.s32 $0x8F2B, s0  }
0xce: {  	[sflag:s0] =	ssyncadd.remote.s32 $0x1  }
0xcf: {  	_ =	sfence.sel $0xFFFF  }
0xd0: {  	[dreg:$0x0] =	wrdreg $0xFFFFFFFF;
	(pc) =	sbr.abs _section_cstart, $3  }
0xd1: {  	[dreg:$0x1] =	wrdreg $0xFFFFFFFF  }
0xd2: {  	_ =	task.clear_ibuf [dreg:s22], $0x2FFFF;
	_ =	strace $0x9FFFFFFF  }
0xd3: {  	(tm) =	ssettm $0x7FFFFFFF  }
tec
execute0_lowered:
.L_overlay_start_1:
0x0: {  	(tag) =	ssettag $0x1  }
0x1: {  	s1 =	rddreg [dreg:$0x0]  }
0x2: {  	s2 =	rddreg [dreg:$0x1]  }
0x3: {  	s9 =	rddreg [dreg:$0x2]  }
0x4: {  	s0 =	rddreg [dreg:$0x3];
	s4 =	simm.s32 $0x0  }
0x5: {  	s3 =	srdreg.scid;
	s11 =	simm.s32 $0x80;
	s12 =	simm.s32 $0x400  }
0x6: {  	s13 =	simm.s32 $0x1;
	s14 =	simm.s32 $0x2;
	s15 =	simm.s32 $0x3  }
0x7: {  	s16 =	simm.s32 $0x18700;
	s17 =	simm.s32 $0x4;
	s18 =	simm.s32 $0x0  }
0x8: {  	[smem:$0x7FF] =	sst s4;
	s5 =	sand.u32 $0x1, s3;
	s3 =	stileid.u32  }
0x9: {  	s6 =	ssub.s32 $0x2, s5;
	s5 =	sshll.u32 s5, $0x4;
	_ =	strace $0x8000004A  }
0xa: {  	s7 =	sshrl.u32 s6, $0x1;
	s8 =	sor.u32 s3, s5;
	s5 =	sadd.s32 $0xD1800, s9  }
0xb: {  	s10 =	ssub.s32 s6, s7;
	s6 =	smul.u32 $0xD, s8;
	s7 =	sadd.s32 $0xD2800, s9  }
0xc: {  	s8 =	sadd.s32 $0xD3800, s9;
	s9 =	sadd.s32 $0xD4800, s9;
	s10 =	smax.u32 s10, $0x1  }
.LBB2_1:
0xd: {  	s19 =	simm.s32 $0x0  }
.LBB2_2:
0xe: {  	s20 =	sadd.s32 s6, s19  }
0xf: {  	s21 =	sadd.s32 $0x1A0, s20  }
0x10: {  	s30 =	sshrl.u32 s20, $0x3;
	s22 =	sshrl.u32 s21, $0x5  }
0x11: {  	s21 =	sand.u32 $0x3, s30;
	s23 =	smul.u32 $0x30E000, s22  }
0x12: {  	s21 =	smul.u32 $0xC3800, s21  }
0x13: {  	s24 =	sshll.u32 s20, $0x7  }
0x14: {  	s23 =	sadd.s32 s21, s23;
	s21 =	sand.u32 $0x380, s24  }
0x15: {  	s23 =	sor.u32 s21, s23  }
0x16: {  	s23 =	sshrl.u32 s23, $0x3  }
0x17: {  	p0 =	seq.s32 s19, $0x0;
	s23 =	sadd.s32 s1, s23  }
0x18: {  	[tilespmem:s4], [sflag:$0x1] =	stream.strided.gather [hbm4b:s23+s11], $0x18700, s12, s11, $0x38;
	[tilespmem:$0x1E700] =	vst v63  }
0x19: {  	s23 =	simm.s32 @!p0 $0x2  }
0x1a: {  	_ =	swait.ge @!p0 [sflag:s23], $0x1000  }
0x1b: {  	s24 =	sadd.s32 @!p0 $0x19F, s20;
	[sflag:s23] =	ssyncset.done @!p0 $0x0  }
0x1c: {  	s24 =	sshrl.u32 @!p0 s24, $0x5;
	[sflag:s23] =	ssyncadd.s32 @!p0 $0xFFFFF000;
	s23 =	simm.s32 @!p0 $0x3  }
0x1d: {  	p1 =	seq.s32 @!p0 s22, s24;
	_ =	swait.ge @!p0 [sflag:s23], $0x1000  }
0x1e: {  	p1 =	por p0, !p1;
	[sflag:s23] =	ssyncset.done @!p0 $0x0  }
0x1f: {  	[sflag:s23] =	ssyncadd.s32 @!p0 $0xFFFFF000;
	s23 =	sshll.u32 @p1 s22, $0xE;
	s22 =	sshll.u32 @p1 s22, $0x7  }
0x20: {  	s23 =	sand.u32 @p1 $0xFFFE0000, s23;
	s22 =	sand.u32 @p1 $0x380, s22  }
0x21: {  	s22 =	sor.u32 @p1 s22, s23  }
0x22: {  	s22 =	sshrl.u32 @p1 s22, $0x3  }
0x23: {  	s22 =	sadd.s32 @p1 s2, s22  }
0x24: {  	[tilespmem:s16], [sflag:$0x4] =	stream.strided.gather @p1 [hbm4b:s22+s11], $0x4000, s12, s11, $0x38;
	[tilespmem:$0x1E700] =	vst v63  }
0x25: {  	_ =	swait.ge @p1 [sflag:s17], $0x4000  }
0x26: {  	[sflag:s17] =	ssyncset.done @p1 $0x0  }
0x27: {  	[sflag:s17] =	ssyncadd.s32 @p1 $0xFFFFC000  }
0x28: {  	_ =	swait.ge [sflag:s13], $0x18700  }
0x29: {  	[sflag:s13] =	ssyncset.done $0x0  }
0x2a: {  	s31 =	simm.s32 $0x18780;
	[sflag:s13] =	ssyncadd.s32 $0xFFFE7900  }
0x2b: {  	v0 =	vld [tilespmem:s31+$0x70]  }
0x2c: {  	v1 =	vld [tilespmem:s31+$0xFFFFFF90]  }
0x2d: {  	v2 =	vld [tilespmem:s31+$0xFFFFFFA0]  }
0x2e: {  	v3 =	vld [tilespmem:s31+$0xFFFFFFB0]  }
0x2f: {  	v4 =	vld [tilespmem:s31+$0xFFFFFFC0]  }
0x30: {  	v5 =	vld [tilespmem:s31+$0xFFFFFFD0]  }
0x31: {  	v6 =	vld [tilespmem:s31+$0xFFFFFFE0]  }
0x32: {  	v7 =	vld [tilespmem:s31+$0xFFFFFFF0]  }
0x33: {  	v8 =	vld [tilespmem:s31+$0x0]  }
0x34: {  	v9 =	vld [tilespmem:s31+$0x10]  }
0x35: {  	v10 =	vld [tilespmem:s31+$0x20]  }
0x36: {  	v11 =	vld [tilespmem:s31+$0x30]  }
0x37: {  	v12 =	vld [tilespmem:s31+$0x40]  }
0x38: {  	v13 =	vld [tilespmem:s31+$0x50]  }
0x39: {  	v14 =	vld [tilespmem:s31+$0x60]  }
0x3a: {  	v15 =	vld [tilespmem:s31+$0xFFFFFF80]  }
0x3b: {  	v0 =	vld.idx.msk [tilespmem:v0+s4+$0x0], $0xffff  }
0x3c: {  	v1 =	vld.idx.msk [tilespmem:v1+s4+$0x0], $0xffff  }
0x3d: {  	v2 =	vld.idx.msk [tilespmem:v2+s4+$0x0], $0xffff  }
0x3e: {  	v3 =	vld.idx.msk [tilespmem:v3+s4+$0x0], $0xffff  }
0x3f: {  	v4 =	vld.idx.msk [tilespmem:v4+s4+$0x0], $0xffff  }
0x40: {  	s22 =	simm.s32 $0x1C800;
	v5 =	vld.idx.msk [tilespmem:v5+s4+$0x0], $0xffff  }
0x41: {  	v6 =	vld.idx.msk [tilespmem:v6+s4+$0x0], $0xffff;
	[tilespmem:s22+$0x70] =	vst v0  }
0x42: {  	v7 =	vld.idx.msk [tilespmem:v7+s4+$0x0], $0xffff;
	[tilespmem:s22+$0xFFFFFF10] =	vst v1  }
0x43: {  	v15 =	vld.idx.msk [tilespmem:v15+s4+$0x0], $0xffff;
	[tilespmem:s22+$0xFFFFFF20] =	vst v2  }
0x44: {  	v8 =	vld.idx.msk [tilespmem:v8+s4+$0x0], $0xffff;
	[tilespmem:s22+$0xFFFFFF30] =	vst v3  }
0x45: {  	[tilespmem:s22+$0xFFFFFF40] =	vst v4;
	v0 =	vld.idx.msk [tilespmem:v9+s4+$0x0], $0xffff  }
0x46: {  	[tilespmem:s22+$0xFFFFFF50] =	vst v5;
	v1 =	vld.idx.msk [tilespmem:v10+s4+$0x0], $0xffff  }
0x47: {  	[tilespmem:s22+$0xFFFFFF60] =	vst v6;
	v2 =	vld.idx.msk [tilespmem:v11+s4+$0x0], $0xffff  }
0x48: {  	[tilespmem:s22+$0xFFFFFF70] =	vst v7;
	v3 =	vld.idx.msk [tilespmem:v12+s4+$0x0], $0xffff  }
0x49: {  	[tilespmem:s22+$0xFFFFFF00] =	vst v15;
	v4 =	vld.idx.msk [tilespmem:v13+s4+$0x0], $0xffff  }
0x4a: {  	s24 =	simm.s32 $0x18880;
	s23 =	simm.s32 $0x0;
	[tilespmem:s22+$0x0] =	vst v8;
	v5 =	vld.idx.msk [tilespmem:v14+s4+$0x0], $0xffff  }
.LBB2_3:
0x4b: {  	v6 =	vld [tilespmem:s24+$0x70];
	s23 =	sadd.s32 $0x100, s23;
	[tilespmem:s22+$0x10] =	vst v0  }
0x4c: {  	v0 =	vld [tilespmem:s24+$0xFFFFFF90];
	p0 =	slt.u32 s23, $0xF00;
	[tilespmem:s22+$0x20] =	vst v1  }
0x4d: {  	v1 =	vld [tilespmem:s24+$0xFFFFFFA0];
	[tilespmem:s22+$0x30] =	vst v2  }
0x4e: {  	v2 =	vld [tilespmem:s24+$0xFFFFFFB0];
	[tilespmem:s22+$0x40] =	vst v3  }
0x4f: {  	v3 =	vld [tilespmem:s24+$0xFFFFFFC0];
	[tilespmem:s22+$0x50] =	vst v4  }
0x50: {  	v4 =	vld [tilespmem:s24+$0xFFFFFFD0];
	[tilespmem:s22+$0x60] =	vst v5  }
0x51: {  	v5 =	vld [tilespmem:s24+$0xFFFFFFE0]  }
0x52: {  	v7 =	vld [tilespmem:s24+$0xFFFFFFF0]  }
0x53: {  	v6 =	vld.idx.msk [tilespmem:v6+s4+$0x0], $0xffff  }
0x54: {  	v8 =	vld [tilespmem:s24+$0x0]  }
0x55: {  	v9 =	vld [tilespmem:s24+$0x10]  }
0x56: {  	v10 =	vld [tilespmem:s24+$0x20]  }
0x57: {  	v11 =	vld [tilespmem:s24+$0x30]  }
0x58: {  	s22 =	sadd.s32 $0x200, s22;
	v12 =	vld [tilespmem:s24+$0x40]  }
0x59: {  	v13 =	vld [tilespmem:s24+$0x50];
	[tilespmem:s22+$0x70] =	vst v6  }
0x5a: {  	v6 =	vld [tilespmem:s24+$0x60]  }
0x5b: {  	v14 =	vld [tilespmem:s24+$0xFFFFFF80]  }
0x5c: {  	v0 =	vld.idx.msk [tilespmem:v0+s4+$0x0], $0xffff  }
0x5d: {  	v1 =	vld.idx.msk [tilespmem:v1+s4+$0x0], $0xffff  }
0x5e: {  	v2 =	vld.idx.msk [tilespmem:v2+s4+$0x0], $0xffff  }
0x5f: {  	v3 =	vld.idx.msk [tilespmem:v3+s4+$0x0], $0xffff  }
0x60: {  	v4 =	vld.idx.msk [tilespmem:v4+s4+$0x0], $0xffff  }
0x61: {  	v5 =	vld.idx.msk [tilespmem:v5+s4+$0x0], $0xffff  }
0x62: {  	[tilespmem:s22+$0xFFFFFF10] =	vst v0;
	v7 =	vld.idx.msk [tilespmem:v7+s4+$0x0], $0xffff  }
0x63: {  	v14 =	vld.idx.msk [tilespmem:v14+s4+$0x0], $0xffff;
	[tilespmem:s22+$0xFFFFFF20] =	vst v1  }
0x64: {  	[tilespmem:s22+$0xFFFFFF30] =	vst v2;
	v8 =	vld.idx.msk [tilespmem:v8+s4+$0x0], $0xffff  }
0x65: {  	[tilespmem:s22+$0xFFFFFF40] =	vst v3;
	v0 =	vld.idx.msk [tilespmem:v9+s4+$0x0], $0xffff  }
.Ltmp0:
0x66: {  	[tilespmem:s22+$0xFFFFFF50] =	vst v4;
	v1 =	vld.idx.msk [tilespmem:v10+s4+$0x0], $0xffff;
	(pc) =	sbr.rel @p0 .LBB2_3-.Ltmp0, $4  }
0x67: {  	[tilespmem:s22+$0xFFFFFF60] =	vst v5;
	v2 =	vld.idx.msk [tilespmem:v11+s4+$0x0], $0xffff  }
0x68: {  	[tilespmem:s22+$0xFFFFFF70] =	vst v7;
	v3 =	vld.idx.msk [tilespmem:v12+s4+$0x0], $0xffff  }
0x69: {  	[tilespmem:s22+$0xFFFFFF00] =	vst v14;
	v4 =	vld.idx.msk [tilespmem:v13+s4+$0x0], $0xffff  }
0x6a: {  	s24 =	sadd.s32 $0x100, s24;
	[tilespmem:s22+$0x0] =	vst v8;
	v5 =	vld.idx.msk [tilespmem:v6+s4+$0x0], $0xffff  }
0x6b: {  	[tilespmem:s22+$0x10] =	vst v0  }
0x6c: {  	[tilespmem:s22+$0x20] =	vst v1;
	s20 =	sshll.u32 s20, $0xE  }
0x6d: {  	[tilespmem:s22+$0x30] =	vst v2;
	s20 =	sand.u32 $0x7FFE0000, s20  }
0x6e: {  	[tilespmem:s22+$0x40] =	vst v3;
	s20 =	sor.u32 s21, s20  }
0x6f: {  	[tilespmem:s22+$0x50] =	vst v4;
	s20 =	sshrl.u32 s20, $0x3  }
0x70: {  	s23 =	simm.s32 $0x1C700;
	[tilespmem:s22+$0x60] =	vst v5;
	s21 =	sadd.s32 s5, s20;
	s22 =	simm.s32 $0x0  }
.LBB2_5:
0x71: {  	p0 =	sne.s32 s22, $0xF80  }
.Ltmp1:
0x72: {  	_ = 	snop;
	(pc) =	sbr.rel @p0 .LBB2_5-.Ltmp1, $4  }
0x73: {  	_ = 	snop  }
0x74: {  	s24 =	sadd.s32 s22, s21  }
0x75: {  	[hbm4b:s24+s4] =	stream.linear.scatter [tilespmem:s23], [sflag:$0x2], $0x80, $0x38;
	[tilespmem:$0x1E700] =	vst v63  }
0x76: {  	s22 =	sadd.s32 $0x80, s22;
	s23 =	sadd.s32 $0x100, s23  }
0x77: {  	s21 =	simm.s32 $0x197F0  }
0x78: {  	v0 =	vld [tilespmem:s21+$0x0]  }
0x79: {  	v1 =	vld [tilespmem:s21+$0xFFFFFF20]  }
0x7a: {  	v2 =	vld [tilespmem:s21+$0xFFFFFF30]  }
0x7b: {  	v3 =	vld [tilespmem:s21+$0xFFFFFF40]  }
0x7c: {  	v4 =	vld [tilespmem:s21+$0xFFFFFF50]  }
0x7d: {  	v5 =	vld [tilespmem:s21+$0xFFFFFF60]  }
0x7e: {  	v6 =	vld [tilespmem:s21+$0xFFFFFF70]  }
0x7f: {  	v7 =	vld [tilespmem:s21+$0xFFFFFF80]  }
0x80: {  	v8 =	vld [tilespmem:s21+$0xFFFFFF90]  }
0x81: {  	v9 =	vld [tilespmem:s21+$0xFFFFFFA0]  }
0x82: {  	v10 =	vld [tilespmem:s21+$0xFFFFFFB0]  }
0x83: {  	v11 =	vld [tilespmem:s21+$0xFFFFFFC0]  }
0x84: {  	v12 =	vld [tilespmem:s21+$0xFFFFFFD0]  }
0x85: {  	v13 =	vld [tilespmem:s21+$0xFFFFFFE0]  }
0x86: {  	v14 =	vld [tilespmem:s21+$0xFFFFFFF0]  }
0x87: {  	v15 =	vld [tilespmem:s21+$0xFFFFFF10]  }
0x88: {  	v0 =	vld.idx.msk [tilespmem:v0+s4+$0x0], $0xffff  }
0x89: {  	v1 =	vld.idx.msk [tilespmem:v1+s4+$0x0], $0xffff  }
0x8a: {  	v2 =	vld.idx.msk [tilespmem:v2+s4+$0x0], $0xffff  }
0x8b: {  	v3 =	vld.idx.msk [tilespmem:v3+s4+$0x0], $0xffff  }
0x8c: {  	v4 =	vld.idx.msk [tilespmem:v4+s4+$0x0], $0xffff  }
0x8d: {  	s21 =	simm.s32 $0x1C880;
	v5 =	vld.idx.msk [tilespmem:v5+s4+$0x0], $0xffff  }
0x8e: {  	v6 =	vld.idx.msk [tilespmem:v6+s4+$0x0], $0xffff;
	[tilespmem:s21+$0x70] =	vst v0  }
0x8f: {  	v7 =	vld.idx.msk [tilespmem:v7+s4+$0x0], $0xffff;
	[tilespmem:s21+$0xFFFFFF10] =	vst v1  }
0x90: {  	v15 =	vld.idx.msk [tilespmem:v15+s4+$0x0], $0xffff;
	[tilespmem:s21+$0xFFFFFF20] =	vst v2  }
0x91: {  	v8 =	vld.idx.msk [tilespmem:v8+s4+$0x0], $0xffff;
	[tilespmem:s21+$0xFFFFFF30] =	vst v3  }
0x92: {  	[tilespmem:s21+$0xFFFFFF40] =	vst v4;
	v0 =	vld.idx.msk [tilespmem:v9+s4+$0x0], $0xffff  }
0x93: {  	[tilespmem:s21+$0xFFFFFF50] =	vst v5;
	v1 =	vld.idx.msk [tilespmem:v10+s4+$0x0], $0xffff  }
0x94: {  	[tilespmem:s21+$0xFFFFFF60] =	vst v6;
	v2 =	vld.idx.msk [tilespmem:v11+s4+$0x0], $0xffff  }
0x95: {  	[tilespmem:s21+$0xFFFFFF70] =	vst v7;
	v3 =	vld.idx.msk [tilespmem:v12+s4+$0x0], $0xffff  }
0x96: {  	[tilespmem:s21+$0xFFFFFF00] =	vst v15;
	v4 =	vld.idx.msk [tilespmem:v13+s4+$0x0], $0xffff  }
0x97: {  	s22 =	simm.s32 $0x0;
	s23 =	simm.s32 $0x198F0;
	[tilespmem:s21+$0x0] =	vst v8;
	v5 =	vld.idx.msk [tilespmem:v14+s4+$0x0], $0xffff  }
.LBB2_7:
0x98: {  	v6 =	vld [tilespmem:s23+$0x0];
	s22 =	sadd.s32 $0x100, s22;
	[tilespmem:s21+$0x10] =	vst v0  }
0x99: {  	v0 =	vld [tilespmem:s23+$0xFFFFFF20];
	p0 =	slt.u32 s22, $0xF00;
	[tilespmem:s21+$0x20] =	vst v1  }
0x9a: {  	v1 =	vld [tilespmem:s23+$0xFFFFFF30];
	[tilespmem:s21+$0x30] =	vst v2  }
0x9b: {  	v2 =	vld [tilespmem:s23+$0xFFFFFF40];
	[tilespmem:s21+$0x40] =	vst v3  }
0x9c: {  	v3 =	vld [tilespmem:s23+$0xFFFFFF50];
	[tilespmem:s21+$0x50] =	vst v4  }
0x9d: {  	v4 =	vld [tilespmem:s23+$0xFFFFFF60];
	[tilespmem:s21+$0x60] =	vst v5  }
0x9e: {  	v5 =	vld [tilespmem:s23+$0xFFFFFF70]  }
0x9f: {  	v7 =	vld [tilespmem:s23+$0xFFFFFF80]  }
0xa0: {  	v6 =	vld.idx.msk [tilespmem:v6+s4+$0x0], $0xffff  }
0xa1: {  	v8 =	vld [tilespmem:s23+$0xFFFFFF90]  }
0xa2: {  	v9 =	vld [tilespmem:s23+$0xFFFFFFA0]  }
0xa3: {  	v10 =	vld [tilespmem:s23+$0xFFFFFFB0]  }
0xa4: {  	v11 =	vld [tilespmem:s23+$0xFFFFFFC0]  }
0xa5: {  	s21 =	sadd.s32 $0x200, s21;
	v12 =	vld [tilespmem:s23+$0xFFFFFFD0]  }
0xa6: {  	v13 =	vld [tilespmem:s23+$0xFFFFFFE0];
	[tilespmem:s21+$0x70] =	vst v6  }
0xa7: {  	v6 =	vld [tilespmem:s23+$0xFFFFFFF0]  }
0xa8: {  	v14 =	vld [tilespmem:s23+$0xFFFFFF10]  }
0xa9: {  	v0 =	vld.idx.msk [tilespmem:v0+s4+$0x0], $0xffff  }
0xaa: {  	v1 =	vld.idx.msk [tilespmem:v1+s4+$0x0], $0xffff  }
0xab: {  	v2 =	vld.idx.msk [tilespmem:v2+s4+$0x0], $0xffff  }
0xac: {  	v3 =	vld.idx.msk [tilespmem:v3+s4+$0x0], $0xffff  }
0xad: {  	v4 =	vld.idx.msk [tilespmem:v4+s4+$0x0], $0xffff  }
0xae: {  	v5 =	vld.idx.msk [tilespmem:v5+s4+$0x0], $0xffff  }
0xaf: {  	[tilespmem:s21+$0xFFFFFF10] =	vst v0;
	v7 =	vld.idx.msk [tilespmem:v7+s4+$0x0], $0xffff  }
0xb0: {  	v14 =	vld.idx.msk [tilespmem:v14+s4+$0x0], $0xffff;
	[tilespmem:s21+$0xFFFFFF20] =	vst v1  }
0xb1: {  	[tilespmem:s21+$0xFFFFFF30] =	vst v2;
	v8 =	vld.idx.msk [tilespmem:v8+s4+$0x0], $0xffff  }
0xb2: {  	[tilespmem:s21+$0xFFFFFF40] =	vst v3;
	v0 =	vld.idx.msk [tilespmem:v9+s4+$0x0], $0xffff  }
.Ltmp2:
0xb3: {  	[tilespmem:s21+$0xFFFFFF50] =	vst v4;
	v1 =	vld.idx.msk [tilespmem:v10+s4+$0x0], $0xffff;
	(pc) =	sbr.rel @p0 .LBB2_7-.Ltmp2, $4  }
0xb4: {  	[tilespmem:s21+$0xFFFFFF60] =	vst v5;
	v2 =	vld.idx.msk [tilespmem:v11+s4+$0x0], $0xffff  }
0xb5: {  	[tilespmem:s21+$0xFFFFFF70] =	vst v7;
	v3 =	vld.idx.msk [tilespmem:v12+s4+$0x0], $0xffff  }
0xb6: {  	[tilespmem:s21+$0xFFFFFF00] =	vst v14;
	v4 =	vld.idx.msk [tilespmem:v13+s4+$0x0], $0xffff  }
0xb7: {  	s23 =	sadd.s32 $0x100, s23;
	[tilespmem:s21+$0x0] =	vst v8;
	v5 =	vld.idx.msk [tilespmem:v6+s4+$0x0], $0xffff  }
0xb8: {  	[tilespmem:s21+$0x10] =	vst v0  }
0xb9: {  	[tilespmem:s21+$0x20] =	vst v1  }
0xba: {  	[tilespmem:s21+$0x30] =	vst v2  }
0xbb: {  	[tilespmem:s21+$0x40] =	vst v3  }
0xbc: {  	s22 =	sadd.s32 s20, s7;
	s23 =	simm.s32 $0x1C780;
	[tilespmem:s21+$0x50] =	vst v4  }
0xbd: {  	s24 =	simm.s32 $0x1C880;
	s25 =	sadd.s32 $0x0, s22;
	[tilespmem:s21+$0x60] =	vst v5;
	s21 =	simm.s32 $0x80  }
.LBB2_9:
0xbe: {  	[hbm4b:s25+s4] =	stream.linear.scatter [tilespmem:s23], [sflag:$0x3], $0x80, $0x38;
	[tilespmem:$0x1E700] =	vst v63  }
0xbf: {  	s25 =	smov.u32 s21;
	s23 =	smov.u32 s24;
	p0 =	sne.s32 s21, $0xF80  }
.Ltmp3:
0xc0: {  	s21 =	sadd.s32 $0x80, s21;
	(pc) =	sbr.rel @p0 .LBB2_9-.Ltmp3, $2  }
0xc1: {  	_ =	sdelay $0x2  }
0xc2: {  	s24 =	sadd.s32 $0x100, s24;
	s25 =	sadd.s32 s25, s22  }
0xc3: {  	[hbm4b:s25+s4] =	stream.linear.scatter [tilespmem:s23], [sflag:$0x3], $0x80, $0x38;
	[tilespmem:$0x1E700] =	vst v63  }
0xc4: {  	_ =	swait.ge [sflag:s14], $0x1000  }
0xc5: {  	[sflag:s14] =	ssyncset.done $0x0  }
0xc6: {  	s21 =	simm.s32 $0x1A7F0;
	[sflag:s14] =	ssyncadd.s32 $0xFFFFF000  }
0xc7: {  	v0 =	vld [tilespmem:s21+$0x0]  }
0xc8: {  	v1 =	vld [tilespmem:s21+$0xFFFFFF20]  }
0xc9: {  	v2 =	vld [tilespmem:s21+$0xFFFFFF30]  }
0xca: {  	v3 =	vld [tilespmem:s21+$0xFFFFFF40]  }
0xcb: {  	v4 =	vld [tilespmem:s21+$0xFFFFFF50]  }
0xcc: {  	v5 =	vld [tilespmem:s21+$0xFFFFFF60]  }
0xcd: {  	v6 =	vld [tilespmem:s21+$0xFFFFFF70]  }
0xce: {  	v7 =	vld [tilespmem:s21+$0xFFFFFF80]  }
0xcf: {  	v8 =	vld [tilespmem:s21+$0xFFFFFF90]  }
0xd0: {  	v9 =	vld [tilespmem:s21+$0xFFFFFFA0]  }
0xd1: {  	v10 =	vld [tilespmem:s21+$0xFFFFFFB0]  }
0xd2: {  	v11 =	vld [tilespmem:s21+$0xFFFFFFC0]  }
0xd3: {  	v12 =	vld [tilespmem:s21+$0xFFFFFFD0]  }
0xd4: {  	v13 =	vld [tilespmem:s21+$0xFFFFFFE0]  }
0xd5: {  	v14 =	vld [tilespmem:s21+$0xFFFFFFF0]  }
0xd6: {  	v15 =	vld [tilespmem:s21+$0xFFFFFF10]  }
0xd7: {  	v0 =	vld.idx.msk [tilespmem:v0+s4+$0x0], $0xffff  }
0xd8: {  	v1 =	vld.idx.msk [tilespmem:v1+s4+$0x0], $0xffff  }
0xd9: {  	v2 =	vld.idx.msk [tilespmem:v2+s4+$0x0], $0xffff  }
0xda: {  	v3 =	vld.idx.msk [tilespmem:v3+s4+$0x0], $0xffff  }
0xdb: {  	v4 =	vld.idx.msk [tilespmem:v4+s4+$0x0], $0xffff  }
0xdc: {  	s21 =	simm.s32 $0x1C800;
	v5 =	vld.idx.msk [tilespmem:v5+s4+$0x0], $0xffff  }
0xdd: {  	v6 =	vld.idx.msk [tilespmem:v6+s4+$0x0], $0xffff;
	[tilespmem:s21+$0x70] =	vst v0  }
0xde: {  	v7 =	vld.idx.msk [tilespmem:v7+s4+$0x0], $0xffff;
	[tilespmem:s21+$0xFFFFFF10] =	vst v1  }
0xdf: {  	v15 =	vld.idx.msk [tilespmem:v15+s4+$0x0], $0xffff;
	[tilespmem:s21+$0xFFFFFF20] =	vst v2  }
0xe0: {  	v8 =	vld.idx.msk [tilespmem:v8+s4+$0x0], $0xffff;
	[tilespmem:s21+$0xFFFFFF30] =	vst v3  }
0xe1: {  	[tilespmem:s21+$0xFFFFFF40] =	vst v4;
	v0 =	vld.idx.msk [tilespmem:v9+s4+$0x0], $0xffff  }
0xe2: {  	[tilespmem:s21+$0xFFFFFF50] =	vst v5;
	v1 =	vld.idx.msk [tilespmem:v10+s4+$0x0], $0xffff  }
0xe3: {  	[tilespmem:s21+$0xFFFFFF60] =	vst v6;
	v2 =	vld.idx.msk [tilespmem:v11+s4+$0x0], $0xffff  }
0xe4: {  	[tilespmem:s21+$0xFFFFFF70] =	vst v7;
	v3 =	vld.idx.msk [tilespmem:v12+s4+$0x0], $0xffff  }
0xe5: {  	[tilespmem:s21+$0xFFFFFF00] =	vst v15;
	v4 =	vld.idx.msk [tilespmem:v13+s4+$0x0], $0xffff  }
0xe6: {  	s22 =	simm.s32 $0x0;
	s23 =	simm.s32 $0x1A8F0;
	[tilespmem:s21+$0x0] =	vst v8;
	v5 =	vld.idx.msk [tilespmem:v14+s4+$0x0], $0xffff  }
.LBB2_11:
0xe7: {  	v6 =	vld [tilespmem:s23+$0x0];
	s22 =	sadd.s32 $0x100, s22;
	[tilespmem:s21+$0x10] =	vst v0  }
0xe8: {  	v0 =	vld [tilespmem:s23+$0xFFFFFF20];
	p0 =	slt.u32 s22, $0xF00;
	[tilespmem:s21+$0x20] =	vst v1  }
0xe9: {  	v1 =	vld [tilespmem:s23+$0xFFFFFF30];
	[tilespmem:s21+$0x30] =	vst v2  }
0xea: {  	v2 =	vld [tilespmem:s23+$0xFFFFFF40];
	[tilespmem:s21+$0x40] =	vst v3  }
0xeb: {  	v3 =	vld [tilespmem:s23+$0xFFFFFF50];
	[tilespmem:s21+$0x50] =	vst v4  }
0xec: {  	v4 =	vld [tilespmem:s23+$0xFFFFFF60];
	[tilespmem:s21+$0x60] =	vst v5  }
0xed: {  	v5 =	vld [tilespmem:s23+$0xFFFFFF70]  }
0xee: {  	v7 =	vld [tilespmem:s23+$0xFFFFFF80]  }
0xef: {  	v6 =	vld.idx.msk [tilespmem:v6+s4+$0x0], $0xffff  }
0xf0: {  	v8 =	vld [tilespmem:s23+$0xFFFFFF90]  }
0xf1: {  	v9 =	vld [tilespmem:s23+$0xFFFFFFA0]  }
0xf2: {  	v10 =	vld [tilespmem:s23+$0xFFFFFFB0]  }
0xf3: {  	v11 =	vld [tilespmem:s23+$0xFFFFFFC0]  }
0xf4: {  	s21 =	sadd.s32 $0x200, s21;
	v12 =	vld [tilespmem:s23+$0xFFFFFFD0]  }
0xf5: {  	v13 =	vld [tilespmem:s23+$0xFFFFFFE0];
	[tilespmem:s21+$0x70] =	vst v6  }
0xf6: {  	v6 =	vld [tilespmem:s23+$0xFFFFFFF0]  }
0xf7: {  	v14 =	vld [tilespmem:s23+$0xFFFFFF10]  }
0xf8: {  	v0 =	vld.idx.msk [tilespmem:v0+s4+$0x0], $0xffff  }
0xf9: {  	v1 =	vld.idx.msk [tilespmem:v1+s4+$0x0], $0xffff  }
0xfa: {  	v2 =	vld.idx.msk [tilespmem:v2+s4+$0x0], $0xffff  }
0xfb: {  	v3 =	vld.idx.msk [tilespmem:v3+s4+$0x0], $0xffff  }
0xfc: {  	v4 =	vld.idx.msk [tilespmem:v4+s4+$0x0], $0xffff  }
0xfd: {  	v5 =	vld.idx.msk [tilespmem:v5+s4+$0x0], $0xffff  }
0xfe: {  	[tilespmem:s21+$0xFFFFFF10] =	vst v0;
	v7 =	vld.idx.msk [tilespmem:v7+s4+$0x0], $0xffff  }
0xff: {  	v14 =	vld.idx.msk [tilespmem:v14+s4+$0x0], $0xffff;
	[tilespmem:s21+$0xFFFFFF20] =	vst v1  }
0x100: {  	[tilespmem:s21+$0xFFFFFF30] =	vst v2;
	v8 =	vld.idx.msk [tilespmem:v8+s4+$0x0], $0xffff  }
0x101: {  	[tilespmem:s21+$0xFFFFFF40] =	vst v3;
	v0 =	vld.idx.msk [tilespmem:v9+s4+$0x0], $0xffff  }
.Ltmp4:
0x102: {  	[tilespmem:s21+$0xFFFFFF50] =	vst v4;
	v1 =	vld.idx.msk [tilespmem:v10+s4+$0x0], $0xffff;
	(pc) =	sbr.rel @p0 .LBB2_11-.Ltmp4, $4  }
0x103: {  	[tilespmem:s21+$0xFFFFFF60] =	vst v5;
	v2 =	vld.idx.msk [tilespmem:v11+s4+$0x0], $0xffff  }
0x104: {  	[tilespmem:s21+$0xFFFFFF70] =	vst v7;
	v3 =	vld.idx.msk [tilespmem:v12+s4+$0x0], $0xffff  }
0x105: {  	[tilespmem:s21+$0xFFFFFF00] =	vst v14;
	v4 =	vld.idx.msk [tilespmem:v13+s4+$0x0], $0xffff  }
0x106: {  	s23 =	sadd.s32 $0x100, s23;
	[tilespmem:s21+$0x0] =	vst v8;
	v5 =	vld.idx.msk [tilespmem:v6+s4+$0x0], $0xffff  }
0x107: {  	[tilespmem:s21+$0x10] =	vst v0  }
0x108: {  	[tilespmem:s21+$0x20] =	vst v1  }
0x109: {  	[tilespmem:s21+$0x30] =	vst v2  }
0x10a: {  	[tilespmem:s21+$0x40] =	vst v3  }
0x10b: {  	s22 =	sadd.s32 s20, s8;
	s23 =	simm.s32 $0x1C700;
	[tilespmem:s21+$0x50] =	vst v4  }
0x10c: {  	s24 =	simm.s32 $0x1C800;
	s25 =	sadd.s32 $0x0, s22;
	[tilespmem:s21+$0x60] =	vst v5;
	s21 =	simm.s32 $0x80  }
.LBB2_13:
0x10d: {  	[hbm4b:s25+s4] =	stream.linear.scatter [tilespmem:s23], [sflag:$0x2], $0x80, $0x38;
	[tilespmem:$0x1E700] =	vst v63  }
0x10e: {  	s25 =	smov.u32 s21;
	s23 =	smov.u32 s24;
	p0 =	sne.s32 s21, $0xF80  }
.Ltmp5:
0x10f: {  	s21 =	sadd.s32 $0x80, s21;
	(pc) =	sbr.rel @p0 .LBB2_13-.Ltmp5, $2  }
0x110: {  	_ =	sdelay $0x2  }
0x111: {  	s24 =	sadd.s32 $0x100, s24;
	s25 =	sadd.s32 s25, s22  }
0x112: {  	[hbm4b:s25+s4] =	stream.linear.scatter [tilespmem:s23], [sflag:$0x2], $0x80, $0x38;
	[tilespmem:$0x1E700] =	vst v63  }
0x113: {  	_ =	swait.ge [sflag:s15], $0x1000  }
0x114: {  	[sflag:s15] =	ssyncset.done $0x0  }
0x115: {  	s21 =	simm.s32 $0x1B7F0;
	[sflag:s15] =	ssyncadd.s32 $0xFFFFF000  }
0x116: {  	v0 =	vld [tilespmem:s21+$0x0]  }
0x117: {  	v1 =	vld [tilespmem:s21+$0xFFFFFF20]  }
0x118: {  	v2 =	vld [tilespmem:s21+$0xFFFFFF30]  }
0x119: {  	v3 =	vld [tilespmem:s21+$0xFFFFFF40]  }
0x11a: {  	v4 =	vld [tilespmem:s21+$0xFFFFFF50]  }
0x11b: {  	v5 =	vld [tilespmem:s21+$0xFFFFFF60]  }
0x11c: {  	v6 =	vld [tilespmem:s21+$0xFFFFFF70]  }
0x11d: {  	v7 =	vld [tilespmem:s21+$0xFFFFFF80]  }
0x11e: {  	v8 =	vld [tilespmem:s21+$0xFFFFFF90]  }
0x11f: {  	v9 =	vld [tilespmem:s21+$0xFFFFFFA0]  }
0x120: {  	v10 =	vld [tilespmem:s21+$0xFFFFFFB0]  }
0x121: {  	v11 =	vld [tilespmem:s21+$0xFFFFFFC0]  }
0x122: {  	v12 =	vld [tilespmem:s21+$0xFFFFFFD0]  }
0x123: {  	v13 =	vld [tilespmem:s21+$0xFFFFFFE0]  }
0x124: {  	v14 =	vld [tilespmem:s21+$0xFFFFFFF0]  }
0x125: {  	v15 =	vld [tilespmem:s21+$0xFFFFFF10]  }
0x126: {  	v0 =	vld.idx.msk [tilespmem:v0+s4+$0x0], $0xffff  }
0x127: {  	v1 =	vld.idx.msk [tilespmem:v1+s4+$0x0], $0xffff  }
0x128: {  	v2 =	vld.idx.msk [tilespmem:v2+s4+$0x0], $0xffff  }
0x129: {  	v3 =	vld.idx.msk [tilespmem:v3+s4+$0x0], $0xffff  }
0x12a: {  	v4 =	vld.idx.msk [tilespmem:v4+s4+$0x0], $0xffff  }
0x12b: {  	s21 =	simm.s32 $0x1C880;
	v5 =	vld.idx.msk [tilespmem:v5+s4+$0x0], $0xffff  }
0x12c: {  	v6 =	vld.idx.msk [tilespmem:v6+s4+$0x0], $0xffff;
	[tilespmem:s21+$0x70] =	vst v0  }
0x12d: {  	v7 =	vld.idx.msk [tilespmem:v7+s4+$0x0], $0xffff;
	[tilespmem:s21+$0xFFFFFF10] =	vst v1  }
0x12e: {  	v15 =	vld.idx.msk [tilespmem:v15+s4+$0x0], $0xffff;
	[tilespmem:s21+$0xFFFFFF20] =	vst v2  }
0x12f: {  	v8 =	vld.idx.msk [tilespmem:v8+s4+$0x0], $0xffff;
	[tilespmem:s21+$0xFFFFFF30] =	vst v3  }
0x130: {  	[tilespmem:s21+$0xFFFFFF40] =	vst v4;
	v0 =	vld.idx.msk [tilespmem:v9+s4+$0x0], $0xffff  }
0x131: {  	[tilespmem:s21+$0xFFFFFF50] =	vst v5;
	v1 =	vld.idx.msk [tilespmem:v10+s4+$0x0], $0xffff  }
0x132: {  	[tilespmem:s21+$0xFFFFFF60] =	vst v6;
	v2 =	vld.idx.msk [tilespmem:v11+s4+$0x0], $0xffff  }
0x133: {  	[tilespmem:s21+$0xFFFFFF70] =	vst v7;
	v3 =	vld.idx.msk [tilespmem:v12+s4+$0x0], $0xffff  }
0x134: {  	[tilespmem:s21+$0xFFFFFF00] =	vst v15;
	v4 =	vld.idx.msk [tilespmem:v13+s4+$0x0], $0xffff  }
0x135: {  	s22 =	simm.s32 $0x0;
	s23 =	simm.s32 $0x1B8F0;
	[tilespmem:s21+$0x0] =	vst v8;
	v5 =	vld.idx.msk [tilespmem:v14+s4+$0x0], $0xffff  }
.LBB2_15:
0x136: {  	v6 =	vld [tilespmem:s23+$0x0];
	s22 =	sadd.s32 $0x100, s22;
	[tilespmem:s21+$0x10] =	vst v0  }
0x137: {  	v0 =	vld [tilespmem:s23+$0xFFFFFF20];
	p0 =	slt.u32 s22, $0xF00;
	[tilespmem:s21+$0x20] =	vst v1  }
0x138: {  	v1 =	vld [tilespmem:s23+$0xFFFFFF30];
	[tilespmem:s21+$0x30] =	vst v2  }
0x139: {  	v2 =	vld [tilespmem:s23+$0xFFFFFF40];
	[tilespmem:s21+$0x40] =	vst v3  }
0x13a: {  	v3 =	vld [tilespmem:s23+$0xFFFFFF50];
	[tilespmem:s21+$0x50] =	vst v4  }
0x13b: {  	v4 =	vld [tilespmem:s23+$0xFFFFFF60];
	[tilespmem:s21+$0x60] =	vst v5  }
0x13c: {  	v5 =	vld [tilespmem:s23+$0xFFFFFF70]  }
0x13d: {  	v7 =	vld [tilespmem:s23+$0xFFFFFF80]  }
0x13e: {  	v6 =	vld.idx.msk [tilespmem:v6+s4+$0x0], $0xffff  }
0x13f: {  	v8 =	vld [tilespmem:s23+$0xFFFFFF90]  }
0x140: {  	v9 =	vld [tilespmem:s23+$0xFFFFFFA0]  }
0x141: {  	v10 =	vld [tilespmem:s23+$0xFFFFFFB0]  }
0x142: {  	v11 =	vld [tilespmem:s23+$0xFFFFFFC0]  }
0x143: {  	s21 =	sadd.s32 $0x200, s21;
	v12 =	vld [tilespmem:s23+$0xFFFFFFD0]  }
0x144: {  	v13 =	vld [tilespmem:s23+$0xFFFFFFE0];
	[tilespmem:s21+$0x70] =	vst v6  }
0x145: {  	v6 =	vld [tilespmem:s23+$0xFFFFFFF0]  }
0x146: {  	v14 =	vld [tilespmem:s23+$0xFFFFFF10]  }
0x147: {  	v0 =	vld.idx.msk [tilespmem:v0+s4+$0x0], $0xffff  }
0x148: {  	v1 =	vld.idx.msk [tilespmem:v1+s4+$0x0], $0xffff  }
0x149: {  	v2 =	vld.idx.msk [tilespmem:v2+s4+$0x0], $0xffff  }
0x14a: {  	v3 =	vld.idx.msk [tilespmem:v3+s4+$0x0], $0xffff  }
0x14b: {  	v4 =	vld.idx.msk [tilespmem:v4+s4+$0x0], $0xffff  }
0x14c: {  	v5 =	vld.idx.msk [tilespmem:v5+s4+$0x0], $0xffff  }
0x14d: {  	[tilespmem:s21+$0xFFFFFF10] =	vst v0;
	v7 =	vld.idx.msk [tilespmem:v7+s4+$0x0], $0xffff  }
0x14e: {  	v14 =	vld.idx.msk [tilespmem:v14+s4+$0x0], $0xffff;
	[tilespmem:s21+$0xFFFFFF20] =	vst v1  }
0x14f: {  	[tilespmem:s21+$0xFFFFFF30] =	vst v2;
	v8 =	vld.idx.msk [tilespmem:v8+s4+$0x0], $0xffff  }
0x150: {  	[tilespmem:s21+$0xFFFFFF40] =	vst v3;
	v0 =	vld.idx.msk [tilespmem:v9+s4+$0x0], $0xffff  }
.Ltmp6:
0x151: {  	[tilespmem:s21+$0xFFFFFF50] =	vst v4;
	v1 =	vld.idx.msk [tilespmem:v10+s4+$0x0], $0xffff;
	(pc) =	sbr.rel @p0 .LBB2_15-.Ltmp6, $4  }
0x152: {  	[tilespmem:s21+$0xFFFFFF60] =	vst v5;
	v2 =	vld.idx.msk [tilespmem:v11+s4+$0x0], $0xffff  }
0x153: {  	[tilespmem:s21+$0xFFFFFF70] =	vst v7;
	v3 =	vld.idx.msk [tilespmem:v12+s4+$0x0], $0xffff  }
0x154: {  	[tilespmem:s21+$0xFFFFFF00] =	vst v14;
	v4 =	vld.idx.msk [tilespmem:v13+s4+$0x0], $0xffff  }
0x155: {  	s23 =	sadd.s32 $0x100, s23;
	[tilespmem:s21+$0x0] =	vst v8;
	v5 =	vld.idx.msk [tilespmem:v6+s4+$0x0], $0xffff  }
0x156: {  	[tilespmem:s21+$0x10] =	vst v0  }
0x157: {  	[tilespmem:s21+$0x20] =	vst v1  }
0x158: {  	[tilespmem:s21+$0x30] =	vst v2  }
0x159: {  	[tilespmem:s21+$0x40] =	vst v3  }
0x15a: {  	s20 =	sadd.s32 s20, s9;
	s22 =	simm.s32 $0x1C780;
	[tilespmem:s21+$0x50] =	vst v4  }
0x15b: {  	s23 =	simm.s32 $0x1C880;
	s24 =	sadd.s32 $0x0, s20;
	[tilespmem:s21+$0x60] =	vst v5;
	s21 =	simm.s32 $0x80  }
.LBB2_17:
0x15c: {  	[hbm4b:s24+s4] =	stream.linear.scatter [tilespmem:s22], [sflag:$0x3], $0x80, $0x38;
	[tilespmem:$0x1E700] =	vst v63  }
0x15d: {  	s24 =	smov.u32 s21;
	s22 =	smov.u32 s23;
	p0 =	sne.s32 s21, $0xF80  }
.Ltmp7:
0x15e: {  	s21 =	sadd.s32 $0x80, s21;
	(pc) =	sbr.rel @p0 .LBB2_17-.Ltmp7, $2  }
0x15f: {  	_ =	sdelay $0x2  }
0x160: {  	s23 =	sadd.s32 $0x100, s23;
	s24 =	sadd.s32 s24, s20  }
0x161: {  	s19 =	sadd.s32 $0x1, s19  }
0x162: {  	p0 =	sne.s32 s19, $0xD  }
.Ltmp8:
0x163: {  	_ = 	snop;
	(pc) =	sbr.rel @p0 .LBB2_2-.Ltmp8, $2  }
0x164: {  	_ =	sdelay $0x2  }
0x165: {  	[hbm4b:s24+s4] =	stream.linear.scatter [tilespmem:s22], [sflag:$0x3], $0x80, $0x38;
	[tilespmem:$0x1E700] =	vst v63  }
0x166: {  	s18 =	sadd.s32 $0x1, s18  }
0x167: {  	_ =	swait.ge [sflag:s14], $0x1000;
	p0 =	sne.s32 s18, s10  }
.Ltmp9:
0x168: {  	[sflag:s14] =	ssyncset.done $0x0;
	(pc) =	sbr.rel @p0 .LBB2_1-.Ltmp9, $4  }
0x169: {  	[sflag:s14] =	ssyncadd.s32 $0xFFFFF000  }
0x16a: {  	_ =	swait.ge [sflag:s15], $0x1000  }
0x16b: {  	[sflag:s15] =	ssyncset.done $0x0  }
0x16c: {  	[sflag:s15] =	ssyncadd.s32 $0xFFFFF000  }
0x16d: {  	_ =	sfence.sel $0x180000  }
0x16e: {  	[bflag:$0x0] =	sbarrier.arrive $0xFFFF  }
0x16f: {  	p0 =	sne.s32 s3, $0x0;
	_ =	strace $0x9000004A  }
0x170: {  	s0 =	sadd.s32 @!p0 $0x100000, s0;
	[bflag:$0x2] =	sbarrier.arrive $0xFFFF  }
0x171: {  	[sflag:s0] =	ssyncadd.tile.s32 @!p0 $0x1;
	_ =	shalt  }
.Lfunc_end2:
_tile_overlayer_lowered:
.L_overlay_start_2:
0x172: {  	(tag) =	ssettag $0x2  }
0x173: {  	s0 =	rddreg [dreg:$0x0];
	s2 =	stileid.u32  }
0x174: {  	s1 =	rddreg [dreg:$0x1];
	p0 =	sne.s32 s2, $0x0  }
0x175: {  	s3 =	rddreg [dreg:$0x2];
	[bflag:$0x3] =	sbarrier.arrive $0xFFFF;
	s2 =	simm.s32 @!p0 $0x1C04  }
0x176: {  	[timem:s3], [sflag:s2] =	dma.local @!p0 [hbm:s0], s1  }
0x177: {  	s0 =	simm.s32 @!p0 $0x4  }
0x178: {  	_ =	swait.ge @!p0 [sflag:s0], s1  }
0x179: {  	s1 =	ssub.s32 @!p0 $0x0, s1;
	[sflag:s0] =	ssyncset.done @!p0 $0x0  }
0x17a: {  	[sflag:s0] =	ssyncadd.s32 @!p0 s1  }
0x17b: {  	[bflag:$0x3] =	sbarrier.arrive $0xFFFF  }
0x17c: {  	_ =	shalt  }

</sc_bundles>
